<compile_context>
chip_gen: v7x
topology: tpu7x:2x2x1
jax: 0.10.2.dev20260603
libtpu: 0.0.44.dev20260713+nightly
codegen_flags: <defaults>
</compile_context>

<pallas_src>
import functools

import jax
import jax.numpy as jnp
from jax import lax
from jax.experimental import pallas as pl
from jax.experimental.pallas import tpu as pltpu
from jax.experimental.pallas import tpu_sc as plsc

B = 16384
D = 128
EPS = 1e-5
CH = 4096
NCH = B // CH
WIN = 128



_NW = 32
_RPW = B // _NW
_SZ = 64
_NSUB = _RPW // _SZ
_SLOTS = 4


def _sc_gather_pair(user_ids, item_ids, tab_u, tab_i):
    uid = user_ids.astype(jnp.int32)
    iid = item_ids.astype(jnp.int32)
    mesh = plsc.VectorSubcoreMesh(core_axis_name="core",
                                  subcore_axis_name="subcore")
    out_t = [jax.ShapeDtypeStruct((B, D), jnp.float32)] * 2

    @functools.partial(
        pl.kernel, out_type=out_t, mesh=mesh,
        scratch_types=([pltpu.VMEM((_RPW,), jnp.int32)] * 2
                       + [pltpu.VMEM((_SLOTS, _SZ, D), jnp.float32)] * 2
                       + [pltpu.SemaphoreType.DMA, pltpu.SemaphoreType.DMA]))
    def k(uid_hbm, iid_hbm, tu_t, ti_t, u_o, i_o,
          idx_u, idx_i, bu, bi, sem_g, sem_w):
        core = lax.axis_index("core")
        sub = lax.axis_index("subcore")
        base = (sub * 2 + core) * _RPW
        pltpu.sync_copy(uid_hbm.at[pl.ds(base, _RPW)], idx_u)
        pltpu.sync_copy(iid_hbm.at[pl.ds(base, _RPW)], idx_i)
        tabs = ((tu_t, idx_u, bu, u_o), (ti_t, idx_i, bi, i_o))

        def fire_gathers(j):
            return [
                pltpu.async_copy(t.at[idx.at[pl.ds(j * _SZ, _SZ)]],
                                 buf.at[j % _SLOTS], sem_g)
                for (t, idx, buf, _o) in tabs]

        def fire_writes(j):
            return [
                pltpu.async_copy(buf.at[j % _SLOTS],
                                 o.at[pl.ds(base + j * _SZ, _SZ)], sem_w)
                for (_t, _idx, buf, o) in tabs]

        ahead = _SLOTS - 1
        g_h = {}
        w_h = {}
        w_waited = set()
        for kk in range(min(ahead, _NSUB)):
            g_h[kk] = fire_gathers(kk)
        for j in range(_NSUB):
            for h in g_h[j]:
                h.wait()
            w_h[j] = fire_writes(j)
            nj = j + ahead
            if nj < _NSUB:
                prev = nj - _SLOTS
                if prev >= 0:
                    for h in w_h[prev]:
                        h.wait()
                    w_waited.add(prev)
                g_h[nj] = fire_gathers(nj)
        for j in range(_NSUB):
            if j not in w_waited:
                for h in w_h[j]:
                    h.wait()

    return k(uid, iid, tab_u, tab_i)



def _fused_body(mu_ref, mi_ref, gu_ref, gi_ref,
                w1ut_ref, w1it_ref, b1_ref, g1_ref, be1_ref,
                w2t_ref, b2_ref, g2_ref, be2_ref,
                w3t_ref, b3_ref, g3_ref, be3_ref,
                wog_ref, woh_ref, bo_ref, out_ref,
                x1_s, x2_s, x3_s, st1_s, st2_s, st3_s):
    p = pl.program_id(0)
    c = pl.program_id(1)
    rows = pl.ds(c * CH, CH)

    def stats_update(st_s, x):
        st = jnp.concatenate([jnp.sum(x, axis=0, keepdims=True),
                              jnp.sum(x * x, axis=0, keepdims=True)], axis=0)

        @pl.when(c == 0)
        def _():
            st_s[...] = st

        @pl.when(c > 0)
        def _():
            st_s[...] = st_s[...] + st

    def affine(st_s, g_ref, be_ref):
        m = st_s[0:1, :] * (1.0 / B)
        v = st_s[1:2, :] * (1.0 / B) - m * m
        alpha = g_ref[...] * lax.rsqrt(v + EPS)
        beta = be_ref[...] - alpha * m
        return alpha, beta

    @pl.when(p == 0)
    def _():
        h = (jnp.dot(mu_ref[...], w1ut_ref[...],
                     preferred_element_type=jnp.float32)
             + jnp.dot(mi_ref[...], w1it_ref[...],
                       preferred_element_type=jnp.float32)
             + b1_ref[...])
        x = jnp.maximum(h, 0.0)
        x1_s[rows, :] = x
        stats_update(st1_s, x)

    @pl.when(p == 1)
    def _():
        alpha, beta = affine(st1_s, g1_ref, be1_ref)
        xn = x1_s[rows, :] * alpha + beta
        h = jnp.dot(xn, w2t_ref[...],
                    preferred_element_type=jnp.float32) + b2_ref[...]
        x = jnp.maximum(h, 0.0)
        x2_s[rows, :] = x
        stats_update(st2_s, x)

    @pl.when(p == 2)
    def _():
        alpha, beta = affine(st2_s, g2_ref, be2_ref)
        xn = x2_s[rows, :] * alpha + beta
        h = jnp.dot(xn, w3t_ref[...],
                    preferred_element_type=jnp.float32) + b3_ref[...]
        x = jnp.maximum(h, 0.0)
        x3_s[rows, :] = x
        stats_update(st3_s, x)

    @pl.when(p == 3)
    def _():
        alpha, beta = affine(st3_s, g3_ref, be3_ref)
        h3n = x3_s[rows, :] * alpha + beta
        gmf = gu_ref[...] * gi_ref[...]
        pred = (jnp.dot(gmf, wog_ref[...],
                        preferred_element_type=jnp.float32)
                + jnp.dot(h3n, woh_ref[...],
                          preferred_element_type=jnp.float32)
                + bo_ref[0, 0])
        out_ref[...] = pred.reshape(CH)



def _trunk_body(mu_ref, mi_ref,
                w1ut_ref, w1it_ref, b1_ref, g1_ref, be1_ref,
                w2t_ref, b2_ref, g2_ref, be2_ref,
                w3t_ref, b3_ref, x3_ref, st3_ref,
                x1_s, x2_s, st1_s, st2_s):
    p = pl.program_id(0)
    c = pl.program_id(1)
    rows = pl.ds(c * CH, CH)

    def stats_update(st_s, x):
        st = jnp.concatenate([jnp.sum(x, axis=0, keepdims=True),
                              jnp.sum(x * x, axis=0, keepdims=True)], axis=0)

        @pl.when(c == 0)
        def _():
            st_s[...] = st

        @pl.when(c > 0)
        def _():
            st_s[...] = st_s[...] + st

    def affine(st_s, g_ref, be_ref):
        m = st_s[0:1, :] * (1.0 / B)
        v = st_s[1:2, :] * (1.0 / B) - m * m
        alpha = g_ref[...] * lax.rsqrt(v + EPS)
        beta = be_ref[...] - alpha * m
        return alpha, beta

    bf = jnp.bfloat16

    @pl.when(p == 0)
    def _():
        h = (jnp.dot(mu_ref[...].astype(bf), w1ut_ref[...].astype(bf),
                     preferred_element_type=jnp.float32)
             + jnp.dot(mi_ref[...].astype(bf), w1it_ref[...].astype(bf),
                       preferred_element_type=jnp.float32)
             + b1_ref[...])
        x = jnp.maximum(h, 0.0)
        x1_s[rows, :] = x
        stats_update(st1_s, x)

    @pl.when(p == 1)
    def _():
        alpha, beta = affine(st1_s, g1_ref, be1_ref)
        xn = x1_s[rows, :] * alpha + beta
        h = jnp.dot(xn.astype(bf), w2t_ref[...].astype(bf),
                    preferred_element_type=jnp.float32) + b2_ref[...]
        x = jnp.maximum(h, 0.0)
        x2_s[rows, :] = x
        stats_update(st2_s, x)

    @pl.when(p == 2)
    def _():
        alpha, beta = affine(st2_s, g2_ref, be2_ref)
        xn = x2_s[rows, :] * alpha + beta
        h = jnp.dot(xn.astype(bf), w3t_ref[...].astype(bf),
                    preferred_element_type=jnp.float32) + b3_ref[...]
        x = jnp.maximum(h, 0.0)
        x3_ref[...] = x
        stats_update(st3_ref, x)


def _head_body(gu_ref, gi_ref, x3_ref, st3_ref, g3_ref, be3_ref,
               wog_ref, woh_ref, bo_ref, out_ref):
    m = st3_ref[0:1, :] * (1.0 / B)
    v = st3_ref[1:2, :] * (1.0 / B) - m * m
    alpha = g3_ref[...] * lax.rsqrt(v + EPS)
    beta = be3_ref[...] - alpha * m
    h3n = x3_ref[...] * alpha + beta
    gmf = gu_ref[...] * gi_ref[...]
    pred = (jnp.dot(gmf, wog_ref[...], preferred_element_type=jnp.float32)
            + jnp.dot(h3n, woh_ref[...], preferred_element_type=jnp.float32)
            + bo_ref[0, 0])
    out_ref[...] = pred.reshape(CH)



def _l1_body(mu_ref, mi_ref, w1ut_ref, w1it_ref, b1_ref, x_ref, st_ref):
    i = pl.program_id(0)
    h = (jnp.dot(mu_ref[...], w1ut_ref[...], preferred_element_type=jnp.float32)
         + jnp.dot(mi_ref[...], w1it_ref[...], preferred_element_type=jnp.float32)
         + b1_ref[...])
    x = jnp.maximum(h, 0.0)
    x_ref[...] = x
    st = jnp.concatenate([jnp.sum(x, axis=0, keepdims=True),
                          jnp.sum(x * x, axis=0, keepdims=True)], axis=0)

    @pl.when(i == 0)
    def _():
        st_ref[...] = st

    @pl.when(i > 0)
    def _():
        st_ref[...] = st_ref[...] + st


def _lmid_body(xin_ref, stin_ref, g_ref, be_ref, wt_ref, b_ref, x_ref, st_ref):
    i = pl.program_id(0)
    m = stin_ref[0:1, :] * (1.0 / B)
    v = stin_ref[1:2, :] * (1.0 / B) - m * m
    alpha = g_ref[...] * lax.rsqrt(v + EPS)
    beta = be_ref[...] - alpha * m
    xn = xin_ref[...] * alpha + beta
    h = jnp.dot(xn, wt_ref[...], preferred_element_type=jnp.float32) + b_ref[...]
    x = jnp.maximum(h, 0.0)
    x_ref[...] = x
    st = jnp.concatenate([jnp.sum(x, axis=0, keepdims=True),
                          jnp.sum(x * x, axis=0, keepdims=True)], axis=0)

    @pl.when(i == 0)
    def _():
        st_ref[...] = st

    @pl.when(i > 0)
    def _():
        st_ref[...] = st_ref[...] + st


def _final_body(gu_ref, gi_ref, x3_ref, st3_ref, g3_ref, be3_ref,
                wog_ref, woh_ref, bo_ref, out_ref):
    m = st3_ref[0:1, :] * (1.0 / B)
    v = st3_ref[1:2, :] * (1.0 / B) - m * m
    alpha = g3_ref[...] * lax.rsqrt(v + EPS)
    beta = be3_ref[...] - alpha * m
    h3n = x3_ref[...] * alpha + beta
    gmf = gu_ref[...] * gi_ref[...]
    pred = (jnp.sum(gmf * wog_ref[...], axis=1)
            + jnp.sum(h3n * woh_ref[...], axis=1)
            + bo_ref[0, 0])
    out_ref[...] = pred


def _row_spec(d):
    return pl.BlockSpec((CH, d), lambda i: (i, 0))


def _full_spec(r, c):
    return pl.BlockSpec((r, c), lambda i: (0, 0))


def kernel(user_ids, item_ids, gmf_u, gmf_i, mlp_u, mlp_i,
           W1, b1, g1, be1, W2, b2, g2, be2, W3, b3, g3, be3, Wo, bo):
    mu, mi = _sc_gather_pair(user_ids, item_ids, mlp_u, mlp_i)
    gu, gi = (mu, mi)

    w1ut = W1[:, :D].T
    w1it = W1[:, D:].T
    w2t = W2.T
    w3t = W3.T
    b1r, g1r, be1r = b1.reshape(1, -1), g1.reshape(1, -1), be1.reshape(1, -1)
    b2r, g2r, be2r = b2.reshape(1, -1), g2.reshape(1, -1), be2.reshape(1, -1)
    b3r, g3r, be3r = b3.reshape(1, -1), g3.reshape(1, -1), be3.reshape(1, -1)
    wog = Wo[:, :D].T
    woh = Wo[:, D:].T
    bor = bo.reshape(1, 1)

    def chunk_on(pass_idx, d):
        return pl.BlockSpec(
            (CH, d), lambda p, c, q=pass_idx: (jnp.where(p == q, c, 0), 0))

    def full2(r, co):
        return pl.BlockSpec((r, co), lambda p, c: (0, 0))

    x3, st3 = pl.pallas_call(
        _trunk_body,
        grid=(3, NCH),
        in_specs=[pl.BlockSpec((CH, D), lambda p, c: (c, 0)),
                  pl.BlockSpec((CH, D), lambda p, c: (c, 0)),
                  full2(D, 256), full2(D, 256), full2(1, 256),
                  full2(1, 256), full2(1, 256),
                  full2(256, 128), full2(1, 128), full2(1, 128), full2(1, 128),
                  full2(128, 64), full2(1, 64)],
        out_specs=[chunk_on(2, 64), full2(2, 64)],
        out_shape=[jax.ShapeDtypeStruct((B, 64), jnp.float32),
                   jax.ShapeDtypeStruct((2, 64), jnp.float32)],
        scratch_shapes=[
            pltpu.VMEM((B, 256), jnp.float32),
            pltpu.VMEM((B, 128), jnp.float32),
            pltpu.VMEM((2, 256), jnp.float32),
            pltpu.VMEM((2, 128), jnp.float32),
        ],
    )(mu, mi,
      w1ut, w1it, b1r, g1r, be1r,
      w2t, b2r, g2r, be2r,
      w3t, b3r)

    return (x3, st3, gu, gi)

    def crow(d):
        return pl.BlockSpec((CH, d), lambda c: (c, 0))

    def cfull(r, co):
        return pl.BlockSpec((r, co), lambda c: (0, 0))

    pred = pl.pallas_call(
        _head_body,
        grid=(NCH,),
        in_specs=[crow(D), crow(D), crow(64), cfull(2, 64),
                  cfull(1, 64), cfull(1, 64),
                  cfull(D, 1), cfull(64, 1), cfull(1, 1)],
        out_specs=pl.BlockSpec((CH,), lambda c: (c,)),
        out_shape=jax.ShapeDtypeStruct((B,), jnp.float32),
    )(gu, gi, x3, st3, g3r, be3r, wog, woh, bor)

    return pred

# --- scband reference (transcript-rebuilt; emitter-appended) ---
"""Pipeline reference for scband-neu-mf-84559316124376 (READ-ONLY COPY).

The authoritative reference and input builder live on the scoring server;
editing this copy changes nothing except your own understanding.
"""

import jax, jax.numpy as jnp
import numpy as np

N_USERS = 100000
N_ITEMS = 100000
D = 128
B = 16384
# mlp_layers = [256, 128, 64], input size = 2*D = 256

def setup_inputs(seed: int = 0) -> dict:
    key = jax.random.key(seed)
    ks = jax.random.split(key, 24)
    inp = {}
    inp["user_ids"] = jax.random.randint(ks[0], (B,), 0, N_USERS)
    inp["item_ids"] = jax.random.randint(ks[1], (B,), 0, N_ITEMS)
    inp["gmf_u"] = jax.random.normal(ks[2], (N_USERS, D), dtype=jnp.float32) * 0.01
    inp["gmf_i"] = jax.random.normal(ks[3], (N_ITEMS, D), dtype=jnp.float32) * 0.01
    inp["mlp_u"] = jax.random.normal(ks[4], (N_USERS, D), dtype=jnp.float32) * 0.01
    inp["mlp_i"] = jax.random.normal(ks[5], (N_ITEMS, D), dtype=jnp.float32) * 0.01
    # MLP: Linear(256->256), Linear(256->128), Linear(128->64)
    inp["W1"] = jax.random.normal(ks[6], (256, 256), dtype=jnp.float32) * 0.05
    inp["b1"] = jnp.zeros((256,), dtype=jnp.float32)
    inp["g1"] = jnp.ones((256,), dtype=jnp.float32)
    inp["be1"] = jnp.zeros((256,), dtype=jnp.float32)
    inp["W2"] = jax.random.normal(ks[7], (128, 256), dtype=jnp.float32) * 0.05
    inp["b2"] = jnp.zeros((128,), dtype=jnp.float32)
    inp["g2"] = jnp.ones((128,), dtype=jnp.float32)
    inp["be2"] = jnp.zeros((128,), dtype=jnp.float32)
    inp["W3"] = jax.random.normal(ks[8], (64, 128), dtype=jnp.float32) * 0.05
    inp["b3"] = jnp.zeros((64,), dtype=jnp.float32)
    inp["g3"] = jnp.ones((64,), dtype=jnp.float32)
    inp["be3"] = jnp.zeros((64,), dtype=jnp.float32)
    # output: Linear(D + 64 = 192 -> 1)
    inp["Wo"] = jax.random.normal(ks[9], (1, D + 64), dtype=jnp.float32) * 0.05
    inp["bo"] = jnp.zeros((1,), dtype=jnp.float32)
    return inp


def _bn(x, g, b):
    # BatchNorm1d in training mode: batch statistics, eps=1e-5
    m = jnp.mean(x, axis=0)
    v = jnp.var(x, axis=0)
    return g * (x - m) / jnp.sqrt(v + 1e-5) + b


def reference(user_ids, item_ids, gmf_u, gmf_i, mlp_u, mlp_i,
              W1, b1, g1, be1, W2, b2, g2, be2, W3, b3, g3, be3, Wo, bo):
    # GMF branch
    gu = jnp.take(gmf_u, user_ids, axis=0)
    gi = jnp.take(gmf_i, item_ids, axis=0)
    gmf_out = gu * gi
    # MLP branch
    mu = jnp.take(mlp_u, user_ids, axis=0)
    mi = jnp.take(mlp_i, item_ids, axis=0)
    h = jnp.concatenate([mu, mi], axis=1)
    for W, b, g, be in ((W1, b1, g1, be1), (W2, b2, g2, be2), (W3, b3, g3, be3)):
        h = jax.nn.relu(h @ W.T + b)
        h = _bn(h, g, be)
        # dropout is identity in inference
    concat = jnp.concatenate([gmf_out, h], axis=1)
    pred = (concat @ Wo.T + bo).squeeze()
    return pred

if __name__ == "__main__":
    import jax
    _d = setup_inputs()
    print(jax.jit(kernel)(*tuple(_d.values())))

</pallas_src>

<mosaic_0001>
#map = affine_map<(d0, d1) -> (0)>
#map1 = affine_map<(d0, d1) -> (0, 0)>
module attributes {stable_mosaic.version = 14 : i64} {
  func.func @k(%arg0: i32, %arg1: i32, %arg2: memref<16384xi32, #tpu.memory_space<hbm>>, %arg3: memref<16384xi32, #tpu.memory_space<hbm>>, %arg4: memref<100000x128xf32, #tpu.memory_space<hbm>>, %arg5: memref<100000x128xf32, #tpu.memory_space<hbm>>, %arg6: memref<16384x128xf32, #tpu.memory_space<hbm>>, %arg7: memref<16384x128xf32, #tpu.memory_space<hbm>>, %arg8: memref<512xi32, #tpu.memory_space<vmem>>, %arg9: memref<512xi32, #tpu.memory_space<vmem>>, %arg10: memref<4x64x128xf32, #tpu.memory_space<vmem>>, %arg11: memref<4x64x128xf32, #tpu.memory_space<vmem>>, %arg12: memref<!tpu.dma_semaphore, #tpu.memory_space<semaphore_mem>>, %arg13: memref<!tpu.dma_semaphore, #tpu.memory_space<semaphore_mem>>) attributes {dimension_semantics = [#tpu.dimension_semantics<core_parallel>, #tpu.dimension_semantics<subcore_parallel>], iteration_bounds = array<i64: 2, 16>, scalar_prefetch = 0 : i64, scratch_operands = 6 : i64, tpu.core_type = #tpu.core_type<sc_vector_subcore>, window_params = [{transform_indices = #map}, {transform_indices = #map}, {transform_indices = #map1}, {transform_indices = #map1}, {transform_indices = #map1}, {transform_indices = #map1}]} {
    %mul3A = arith.constant 2 : i32
    %mul3A_0 = arith.muli %arg1, %mul3A : i32
    %add3A = arith.addi %mul3A_0, %arg0 : i32
    %mul3A_1 = arith.constant 512 : i32
    %mul3A_2 = arith.muli %add3A, %mul3A_1 : i32
    "tpu.region"() ({
      %run_scoped3A = tpu.sem_alloc : memref<!tpu.dma_semaphore, #tpu.memory_space<semaphore_mem>>
      %dma_start3A_769 = tpu.memref_slice %arg2[%mul3A_2] : memref<16384xi32, #tpu.memory_space<hbm>> -> memref<512xi32, #tpu.memory_space<hbm>>
      %dma_start3A_770 = tpu.memref_slice %arg2[%mul3A_2] : memref<16384xi32, #tpu.memory_space<hbm>> -> memref<512xi32, #tpu.memory_space<hbm>>
      tpu.enqueue_dma source(%dma_start3A_770 : memref<512xi32, #tpu.memory_space<hbm>>) target(%arg8 : memref<512xi32, #tpu.memory_space<vmem>>) target_semaphore(%run_scoped3A : memref<!tpu.dma_semaphore, #tpu.memory_space<semaphore_mem>>)
      %dma_wait3A_771 = tpu.memref_slice %arg2[%mul3A_2] : memref<16384xi32, #tpu.memory_space<hbm>> -> memref<512xi32, #tpu.memory_space<hbm>>
      %dma_wait3A_772 = tpu.memref_slice %arg2[%mul3A_2] : memref<16384xi32, #tpu.memory_space<hbm>> -> memref<512xi32, #tpu.memory_space<hbm>>
      tpu.wait_dma2 semaphore(%run_scoped3A : memref<!tpu.dma_semaphore, #tpu.memory_space<semaphore_mem>>) src(%dma_wait3A_772 : memref<512xi32, #tpu.memory_space<hbm>>) dst(%arg8 : memref<512xi32, #tpu.memory_space<vmem>>)
      tpu.yield
    }) : () -> ()
    "tpu.region"() ({
      %run_scoped3A = tpu.sem_alloc : memref<!tpu.dma_semaphore, #tpu.memory_space<semaphore_mem>>
      %dma_start3A_769 = tpu.memref_slice %arg3[%mul3A_2] : memref<16384xi32, #tpu.memory_space<hbm>> -> memref<512xi32, #tpu.memory_space<hbm>>
      %dma_start3A_770 = tpu.memref_slice %arg3[%mul3A_2] : memref<16384xi32, #tpu.memory_space<hbm>> -> memref<512xi32, #tpu.memory_space<hbm>>
      tpu.enqueue_dma source(%dma_start3A_770 : memref<512xi32, #tpu.memory_space<hbm>>) target(%arg9 : memref<512xi32, #tpu.memory_space<vmem>>) target_semaphore(%run_scoped3A : memref<!tpu.dma_semaphore, #tpu.memory_space<semaphore_mem>>)
      %dma_wait3A_771 = tpu.memref_slice %arg3[%mul3A_2] : memref<16384xi32, #tpu.memory_space<hbm>> -> memref<512xi32, #tpu.memory_space<hbm>>
      %dma_wait3A_772 = tpu.memref_slice %arg3[%mul3A_2] : memref<16384xi32, #tpu.memory_space<hbm>> -> memref<512xi32, #tpu.memory_space<hbm>>
      tpu.wait_dma2 semaphore(%run_scoped3A : memref<!tpu.dma_semaphore, #tpu.memory_space<semaphore_mem>>) src(%dma_wait3A_772 : memref<512xi32, #tpu.memory_space<hbm>>) dst(%arg9 : memref<512xi32, #tpu.memory_space<vmem>>)
      tpu.yield
    }) : () -> ()
    %dma_start3A = arith.constant 0 : i32
    %dma_start3A_3 = arith.constant 0 : i32
    %dma_start3A_4 = arith.constant 0 : i32
    %dma_start3A_5 = tpu.memref_slice %arg10[%dma_start3A, %dma_start3A_3, %dma_start3A_4] : memref<4x64x128xf32, #tpu.memory_space<vmem>> -> memref<1x64x128xf32, #tpu.memory_space<vmem>>
    %dma_start3A_6 = tpu.memref_squeeze %dma_start3A_5 : memref<1x64x128xf32, #tpu.memory_space<vmem>> -> memref<64x128xf32, #tpu.memory_space<vmem>>
    %dma_start3A_7 = arith.constant 0 : i32
    %dma_start3A_8 = tpu.memref_slice %arg8[%dma_start3A_7] : memref<512xi32, #tpu.memory_space<vmem>> -> memref<64xi32, #tpu.memory_space<vmem>>
    %dma_start3A_9 = arith.constant 0 : i32
    %dma_start3A_10 = arith.constant 0 : i32
    %dma_start3A_11 = tpu.memref_slice %arg4[%dma_start3A_9, %dma_start3A_10] : memref<100000x128xf32, #tpu.memory_space<hbm>> -> memref<100000x128xf32, #tpu.memory_space<hbm>>
    tpu.enqueue_indirect_dma source(%dma_start3A_11 : memref<100000x128xf32, #tpu.memory_space<hbm>>) target(%dma_start3A_6 : memref<64x128xf32, #tpu.memory_space<vmem>>) offsets(%dma_start3A_8 : memref<64xi32, #tpu.memory_space<vmem>>) semaphore(%arg12 : memref<!tpu.dma_semaphore, #tpu.memory_space<semaphore_mem>>)
    %dma_start3A_12 = arith.constant 0 : i32
    %dma_start3A_13 = arith.constant 0 : i32
    %dma_start3A_14 = arith.constant 0 : i32
    %dma_start3A_15 = tpu.memref_slice %arg11[%dma_start3A_12, %dma_start3A_13, %dma_start3A_14] : memref<4x64x128xf32, #tpu.memory_space<vmem>> -> memref<1x64x128xf32, #tpu.memory_space<vmem>>
    %dma_start3A_16 = tpu.memref_squeeze %dma_start3A_15 : memref<1x64x128xf32, #tpu.memory_space<vmem>> -> memref<64x128xf32, #tpu.memory_space<vmem>>
    %dma_start3A_17 = arith.constant 0 : i32
    %dma_start3A_18 = tpu.memref_slice %arg9[%dma_start3A_17] : memref<512xi32, #tpu.memory_space<vmem>> -> memref<64xi32, #tpu.memory_space<vmem>>
    %dma_start3A_19 = arith.constant 0 : i32
    %dma_start3A_20 = arith.constant 0 : i32
    %dma_start3A_21 = tpu.memref_slice %arg5[%dma_start3A_19, %dma_start3A_20] : memref<100000x128xf32, #tpu.memory_space<hbm>> -> memref<100000x128xf32, #tpu.memory_space<hbm>>
    tpu.enqueue_indirect_dma source(%dma_start3A_21 : memref<100000x128xf32, #tpu.memory_space<hbm>>) target(%dma_start3A_16 : memref<64x128xf32, #tpu.memory_space<vmem>>) offsets(%dma_start3A_18 : memref<64xi32, #tpu.memory_space<vmem>>) semaphore(%arg12 : memref<!tpu.dma_semaphore, #tpu.memory_space<semaphore_mem>>)
    %dma_start3A_22 = arith.constant 1 : i32
    %dma_start3A_23 = arith.constant 0 : i32
    %dma_start3A_24 = arith.constant 0 : i32
    %dma_start3A_25 = tpu.memref_slice %arg10[%dma_start3A_22, %dma_start3A_23, %dma_start3A_24] : memref<4x64x128xf32, #tpu.memory_space<vmem>> -> memref<1x64x128xf32, #tpu.memory_space<vmem>>
    %dma_start3A_26 = tpu.memref_squeeze %dma_start3A_25 : memref<1x64x128xf32, #tpu.memory_space<vmem>> -> memref<64x128xf32, #tpu.memory_space<vmem>>
    %dma_start3A_27 = arith.constant 64 : i32
    %dma_start3A_28 = tpu.memref_slice %arg8[%dma_start3A_27] : memref<512xi32, #tpu.memory_space<vmem>> -> memref<64xi32, #tpu.memory_space<vmem>>
    %dma_start3A_29 = arith.constant 0 : i32
    %dma_start3A_30 = arith.constant 0 : i32
    %dma_start3A_31 = tpu.memref_slice %arg4[%dma_start3A_29, %dma_start3A_30] : memref<100000x128xf32, #tpu.memory_space<hbm>> -> memref<100000x128xf32, #tpu.memory_space<hbm>>
    tpu.enqueue_indirect_dma source(%dma_start3A_31 : memref<100000x128xf32, #tpu.memory_space<hbm>>) target(%dma_start3A_26 : memref<64x128xf32, #tpu.memory_space<vmem>>) offsets(%dma_start3A_28 : memref<64xi32, #tpu.memory_space<vmem>>) semaphore(%arg12 : memref<!tpu.dma_semaphore, #tpu.memory_space<semaphore_mem>>)
    %dma_start3A_32 = arith.constant 1 : i32
    %dma_start3A_33 = arith.constant 0 : i32
    %dma_start3A_34 = arith.constant 0 : i32
    %dma_start3A_35 = tpu.memref_slice %arg11[%dma_start3A_32, %dma_start3A_33, %dma_start3A_34] : memref<4x64x128xf32, #tpu.memory_space<vmem>> -> memref<1x64x128xf32, #tpu.memory_space<vmem>>
    %dma_start3A_36 = tpu.memref_squeeze %dma_start3A_35 : memref<1x64x128xf32, #tpu.memory_space<vmem>> -> memref<64x128xf32, #tpu.memory_space<vmem>>
    %dma_start3A_37 = arith.constant 64 : i32
    %dma_start3A_38 = tpu.memref_slice %arg9[%dma_start3A_37] : memref<512xi32, #tpu.memory_space<vmem>> -> memref<64xi32, #tpu.memory_space<vmem>>
    %dma_start3A_39 = arith.constant 0 : i32
    %dma_start3A_40 = arith.constant 0 : i32
    %dma_start3A_41 = tpu.memref_slice %arg5[%dma_start3A_39, %dma_start3A_40] : memref<100000x128xf32, #tpu.memory_space<hbm>> -> memref<100000x128xf32, #tpu.memory_space<hbm>>
    tpu.enqueue_indirect_dma source(%dma_start3A_41 : memref<100000x128xf32, #tpu.memory_space<hbm>>) target(%dma_start3A_36 : memref<64x128xf32, #tpu.memory_space<vmem>>) offsets(%dma_start3A_38 : memref<64xi32, #tpu.memory_space<vmem>>) semaphore(%arg12 : memref<!tpu.dma_semaphore, #tpu.memory_space<semaphore_mem>>)
    %dma_start3A_42 = arith.constant 2 : i32
    %dma_start3A_43 = arith.constant 0 : i32
    %dma_start3A_44 = arith.constant 0 : i32
    %dma_start3A_45 = tpu.memref_slice %arg10[%dma_start3A_42, %dma_start3A_43, %dma_start3A_44] : memref<4x64x128xf32, #tpu.memory_space<vmem>> -> memref<1x64x128xf32, #tpu.memory_space<vmem>>
    %dma_start3A_46 = tpu.memref_squeeze %dma_start3A_45 : memref<1x64x128xf32, #tpu.memory_space<vmem>> -> memref<64x128xf32, #tpu.memory_space<vmem>>
    %dma_start3A_47 = arith.constant 128 : i32
    %dma_start3A_48 = tpu.memref_slice %arg8[%dma_start3A_47] : memref<512xi32, #tpu.memory_space<vmem>> -> memref<64xi32, #tpu.memory_space<vmem>>
    %dma_start3A_49 = arith.constant 0 : i32
    %dma_start3A_50 = arith.constant 0 : i32
    %dma_start3A_51 = tpu.memref_slice %arg4[%dma_start3A_49, %dma_start3A_50] : memref<100000x128xf32, #tpu.memory_space<hbm>> -> memref<100000x128xf32, #tpu.memory_space<hbm>>
    tpu.enqueue_indirect_dma source(%dma_start3A_51 : memref<100000x128xf32, #tpu.memory_space<hbm>>) target(%dma_start3A_46 : memref<64x128xf32, #tpu.memory_space<vmem>>) offsets(%dma_start3A_48 : memref<64xi32, #tpu.memory_space<vmem>>) semaphore(%arg12 : memref<!tpu.dma_semaphore, #tpu.memory_space<semaphore_mem>>)
    %dma_start3A_52 = arith.constant 2 : i32
    %dma_start3A_53 = arith.constant 0 : i32
    %dma_start3A_54 = arith.constant 0 : i32
    %dma_start3A_55 = tpu.memref_slice %arg11[%dma_start3A_52, %dma_start3A_53, %dma_start3A_54] : memref<4x64x128xf32, #tpu.memory_space<vmem>> -> memref<1x64x128xf32, #tpu.memory_space<vmem>>
    %dma_start3A_56 = tpu.memref_squeeze %dma_start3A_55 : memref<1x64x128xf32, #tpu.memory_space<vmem>> -> memref<64x128xf32, #tpu.memory_space<vmem>>
    %dma_start3A_57 = arith.constant 128 : i32
    %dma_start3A_58 = tpu.memref_slice %arg9[%dma_start3A_57] : memref<512xi32, #tpu.memory_space<vmem>> -> memref<64xi32, #tpu.memory_space<vmem>>
    %dma_start3A_59 = arith.constant 0 : i32
    %dma_start3A_60 = arith.constant 0 : i32
    %dma_start3A_61 = tpu.memref_slice %arg5[%dma_start3A_59, %dma_start3A_60] : memref<100000x128xf32, #tpu.memory_space<hbm>> -> memref<100000x128xf32, #tpu.memory_space<hbm>>
    tpu.enqueue_indirect_dma source(%dma_start3A_61 : memref<100000x128xf32, #tpu.memory_space<hbm>>) target(%dma_start3A_56 : memref<64x128xf32, #tpu.memory_space<vmem>>) offsets(%dma_start3A_58 : memref<64xi32, #tpu.memory_space<vmem>>) semaphore(%arg12 : memref<!tpu.dma_semaphore, #tpu.memory_space<semaphore_mem>>)
    %dma_wait3A = arith.constant 0 : i32
    %dma_wait3A_62 = arith.constant 0 : i32
    %dma_wait3A_63 = arith.constant 0 : i32
    %dma_wait3A_64 = tpu.memref_slice %arg10[%dma_wait3A, %dma_wait3A_62, %dma_wait3A_63] : memref<4x64x128xf32, #tpu.memory_space<vmem>> -> memref<1x64x128xf32, #tpu.memory_space<vmem>>
    %dma_wait3A_65 = tpu.memref_squeeze %dma_wait3A_64 : memref<1x64x128xf32, #tpu.memory_space<vmem>> -> memref<64x128xf32, #tpu.memory_space<vmem>>
    %dma_wait3A_66 = arith.constant 0 : i32
    %dma_wait3A_67 = tpu.memref_slice %arg8[%dma_wait3A_66] : memref<512xi32, #tpu.memory_space<vmem>> -> memref<64xi32, #tpu.memory_space<vmem>>
    %dma_wait3A_68 = arith.constant 0 : i32
    %dma_wait3A_69 = arith.constant 0 : i32
    %dma_wait3A_70 = tpu.memref_slice %arg4[%dma_wait3A_68, %dma_wait3A_69] : memref<100000x128xf32, #tpu.memory_space<hbm>> -> memref<100000x128xf32, #tpu.memory_space<hbm>>
    tpu.wait_indirect_dma semaphore(%arg12 : memref<!tpu.dma_semaphore, #tpu.memory_space<semaphore_mem>>) src(%dma_wait3A_70 : memref<100000x128xf32, #tpu.memory_space<hbm>>) dst(%dma_wait3A_65 : memref<64x128xf32, #tpu.memory_space<vmem>>)
    %dma_wait3A_71 = arith.constant 0 : i32
    %dma_wait3A_72 = arith.constant 0 : i32
    %dma_wait3A_73 = arith.constant 0 : i32
    %dma_wait3A_74 = tpu.memref_slice %arg11[%dma_wait3A_71, %dma_wait3A_72, %dma_wait3A_73] : memref<4x64x128xf32, #tpu.memory_space<vmem>> -> memref<1x64x128xf32, #tpu.memory_space<vmem>>
    %dma_wait3A_75 = tpu.memref_squeeze %dma_wait3A_74 : memref<1x64x128xf32, #tpu.memory_space<vmem>> -> memref<64x128xf32, #tpu.memory_space<vmem>>
    %dma_wait3A_76 = arith.constant 0 : i32
    %dma_wait3A_77 = tpu.memref_slice %arg9[%dma_wait3A_76] : memref<512xi32, #tpu.memory_space<vmem>> -> memref<64xi32, #tpu.memory_space<vmem>>
    %dma_wait3A_78 = arith.constant 0 : i32
    %dma_wait3A_79 = arith.constant 0 : i32
    %dma_wait3A_80 = tpu.memref_slice %arg5[%dma_wait3A_78, %dma_wait3A_79] : memref<100000x128xf32, #tpu.memory_space<hbm>> -> memref<100000x128xf32, #tpu.memory_space<hbm>>
    tpu.wait_indirect_dma semaphore(%arg12 : memref<!tpu.dma_semaphore, #tpu.memory_space<semaphore_mem>>) src(%dma_wait3A_80 : memref<100000x128xf32, #tpu.memory_space<hbm>>) dst(%dma_wait3A_75 : memref<64x128xf32, #tpu.memory_space<vmem>>)
    %add3A_81 = arith.constant 0 : i32
    %add3A_82 = arith.addi %mul3A_2, %add3A_81 : i32
    %dma_start3A_83 = arith.constant 0 : i32
    %dma_start3A_84 = arith.constant 0 : i32
    %dma_start3A_85 = arith.constant 0 : i32
    %dma_start3A_86 = tpu.memref_slice %arg10[%dma_start3A_83, %dma_start3A_84, %dma_start3A_85] : memref<4x64x128xf32, #tpu.memory_space<vmem>> -> memref<1x64x128xf32, #tpu.memory_space<vmem>>
    %dma_start3A_87 = tpu.memref_squeeze %dma_start3A_86 : memref<1x64x128xf32, #tpu.memory_space<vmem>> -> memref<64x128xf32, #tpu.memory_space<vmem>>
    %dma_start3A_88 = arith.constant 0 : i32
    %dma_start3A_89 = tpu.memref_slice %arg6[%add3A_82, %dma_start3A_88] : memref<16384x128xf32, #tpu.memory_space<hbm>> -> memref<64x128xf32, #tpu.memory_space<hbm>>
    %dma_start3A_90 = arith.constant 0 : i32
    %dma_start3A_91 = tpu.memref_slice %arg6[%add3A_82, %dma_start3A_90] : memref<16384x128xf32, #tpu.memory_space<hbm>> -> memref<64x128xf32, #tpu.memory_space<hbm>>
    %dma_start3A_92 = arith.constant 0 : i32
    %dma_start3A_93 = arith.constant 0 : i32
    %dma_start3A_94 = tpu.memref_slice %arg10[%dma_start3A_83, %dma_start3A_92, %dma_start3A_93] : memref<4x64x128xf32, #tpu.memory_space<vmem>> -> memref<1x64x128xf32, #tpu.memory_space<vmem>>
    %dma_start3A_95 = tpu.memref_squeeze %dma_start3A_94 : memref<1x64x128xf32, #tpu.memory_space<vmem>> -> memref<64x128xf32, #tpu.memory_space<vmem>>
    tpu.enqueue_dma source(%dma_start3A_95 : memref<64x128xf32, #tpu.memory_space<vmem>>) target(%dma_start3A_91 : memref<64x128xf32, #tpu.memory_space<hbm>>) target_semaphore(%arg13 : memref<!tpu.dma_semaphore, #tpu.memory_space<semaphore_mem>>)
    %add3A_96 = arith.constant 0 : i32
    %add3A_97 = arith.addi %mul3A_2, %add3A_96 : i32
    %dma_start3A_98 = arith.constant 0 : i32
    %dma_start3A_99 = arith.constant 0 : i32
    %dma_start3A_100 = arith.constant 0 : i32
    %dma_start3A_101 = tpu.memref_slice %arg11[%dma_start3A_98, %dma_start3A_99, %dma_start3A_100] : memref<4x64x128xf32, #tpu.memory_space<vmem>> -> memref<1x64x128xf32, #tpu.memory_space<vmem>>
    %dma_start3A_102 = tpu.memref_squeeze %dma_start3A_101 : memref<1x64x128xf32, #tpu.memory_space<vmem>> -> memref<64x128xf32, #tpu.memory_space<vmem>>
    %dma_start3A_103 = arith.constant 0 : i32
    %dma_start3A_104 = tpu.memref_slice %arg7[%add3A_97, %dma_start3A_103] : memref<16384x128xf32, #tpu.memory_space<hbm>> -> memref<64x128xf32, #tpu.memory_space<hbm>>
    %dma_start3A_105 = arith.constant 0 : i32
    %dma_start3A_106 = tpu.memref_slice %arg7[%add3A_97, %dma_start3A_105] : memref<16384x128xf32, #tpu.memory_space<hbm>> -> memref<64x128xf32, #tpu.memory_space<hbm>>
    %dma_start3A_107 = arith.constant 0 : i32
    %dma_start3A_108 = arith.constant 0 : i32
    %dma_start3A_109 = tpu.memref_slice %arg11[%dma_start3A_98, %dma_start3A_107, %dma_start3A_108] : memref<4x64x128xf32, #tpu.memory_space<vmem>> -> memref<1x64x128xf32, #tpu.memory_space<vmem>>
    %dma_start3A_110 = tpu.memref_squeeze %dma_start3A_109 : memref<1x64x128xf32, #tpu.memory_space<vmem>> -> memref<64x128xf32, #tpu.memory_space<vmem>>
    tpu.enqueue_dma source(%dma_start3A_110 : memref<64x128xf32, #tpu.memory_space<vmem>>) target(%dma_start3A_106 : memref<64x128xf32, #tpu.memory_space<hbm>>) target_semaphore(%arg13 : memref<!tpu.dma_semaphore, #tpu.memory_space<semaphore_mem>>)
    %dma_start3A_111 = arith.constant 3 : i32
    %dma_start3A_112 = arith.constant 0 : i32
    %dma_start3A_113 = arith.constant 0 : i32
    %dma_start3A_114 = tpu.memref_slice %arg10[%dma_start3A_111, %dma_start3A_112, %dma_start3A_113] : memref<4x64x128xf32, #tpu.memory_space<vmem>> -> memref<1x64x128xf32, #tpu.memory_space<vmem>>
    %dma_start3A_115 = tpu.memref_squeeze %dma_start3A_114 : memref<1x64x128xf32, #tpu.memory_space<vmem>> -> memref<64x128xf32, #tpu.memory_space<vmem>>
    %dma_start3A_116 = arith.constant 192 : i32
    %dma_start3A_117 = tpu.memref_slice %arg8[%dma_start3A_116] : memref<512xi32, #tpu.memory_space<vmem>> -> memref<64xi32, #tpu.memory_space<vmem>>
    %dma_start3A_118 = arith.constant 0 : i32
    %dma_start3A_119 = arith.constant 0 : i32
    %dma_start3A_120 = tpu.memref_slice %arg4[%dma_start3A_118, %dma_start3A_119] : memref<100000x128xf32, #tpu.memory_space<hbm>> -> memref<100000x128xf32, #tpu.memory_space<hbm>>
    tpu.enqueue_indirect_dma source(%dma_start3A_120 : memref<100000x128xf32, #tpu.memory_space<hbm>>) target(%dma_start3A_115 : memref<64x128xf32, #tpu.memory_space<vmem>>) offsets(%dma_start3A_117 : memref<64xi32, #tpu.memory_space<vmem>>) semaphore(%arg12 : memref<!tpu.dma_semaphore, #tpu.memory_space<semaphore_mem>>)
    %dma_start3A_121 = arith.constant 3 : i32
    %dma_start3A_122 = arith.constant 0 : i32
    %dma_start3A_123 = arith.constant 0 : i32
    %dma_start3A_124 = tpu.memref_slice %arg11[%dma_start3A_121, %dma_start3A_122, %dma_start3A_123] : memref<4x64x128xf32, #tpu.memory_space<vmem>> -> memref<1x64x128xf32, #tpu.memory_space<vmem>>
    %dma_start3A_125 = tpu.memref_squeeze %dma_start3A_124 : memref<1x64x128xf32, #tpu.memory_space<vmem>> -> memref<64x128xf32, #tpu.memory_space<vmem>>
    %dma_start3A_126 = arith.constant 192 : i32
    %dma_start3A_127 = tpu.memref_slice %arg9[%dma_start3A_126] : memref<512xi32, #tpu.memory_space<vmem>> -> memref<64xi32, #tpu.memory_space<vmem>>
    %dma_start3A_128 = arith.constant 0 : i32
    %dma_start3A_129 = arith.constant 0 : i32
    %dma_start3A_130 = tpu.memref_slice %arg5[%dma_start3A_128, %dma_start3A_129] : memref<100000x128xf32, #tpu.memory_space<hbm>> -> memref<100000x128xf32, #tpu.memory_space<hbm>>
    tpu.enqueue_indirect_dma source(%dma_start3A_130 : memref<100000x128xf32, #tpu.memory_space<hbm>>) target(%dma_start3A_125 : memref<64x128xf32, #tpu.memory_space<vmem>>) offsets(%dma_start3A_127 : memref<64xi32, #tpu.memory_space<vmem>>) semaphore(%arg12 : memref<!tpu.dma_semaphore, #tpu.memory_space<semaphore_mem>>)
    %dma_wait3A_131 = arith.constant 1 : i32
    %dma_wait3A_132 = arith.constant 0 : i32
    %dma_wait3A_133 = arith.constant 0 : i32
    %dma_wait3A_134 = tpu.memref_slice %arg10[%dma_wait3A_131, %dma_wait3A_132, %dma_wait3A_133] : memref<4x64x128xf32, #tpu.memory_space<vmem>> -> memref<1x64x128xf32, #tpu.memory_space<vmem>>
    %dma_wait3A_135 = tpu.memref_squeeze %dma_wait3A_134 : memref<1x64x128xf32, #tpu.memory_space<vmem>> -> memref<64x128xf32, #tpu.memory_space<vmem>>
    %dma_wait3A_136 = arith.constant 64 : i32
    %dma_wait3A_137 = tpu.memref_slice %arg8[%dma_wait3A_136] : memref<512xi32, #tpu.memory_space<vmem>> -> memref<64xi32, #tpu.memory_space<vmem>>
    %dma_wait3A_138 = arith.constant 0 : i32
    %dma_wait3A_139 = arith.constant 0 : i32
    %dma_wait3A_140 = tpu.memref_slice %arg4[%dma_wait3A_138, %dma_wait3A_139] : memref<100000x128xf32, #tpu.memory_space<hbm>> -> memref<100000x128xf32, #tpu.memory_space<hbm>>
    tpu.wait_indirect_dma semaphore(%arg12 : memref<!tpu.dma_semaphore, #tpu.memory_space<semaphore_mem>>) src(%dma_wait3A_140 : memref<100000x128xf32, #tpu.memory_space<hbm>>) dst(%dma_wait3A_135 : memref<64x128xf32, #tpu.memory_space<vmem>>)
    %dma_wait3A_141 = arith.constant 1 : i32
    %dma_wait3A_142 = arith.constant 0 : i32
    %dma_wait3A_143 = arith.constant 0 : i32
    %dma_wait3A_144 = tpu.memref_slice %arg11[%dma_wait3A_141, %dma_wait3A_142, %dma_wait3A_143] : memref<4x64x128xf32, #tpu.memory_space<vmem>> -> memref<1x64x128xf32, #tpu.memory_space<vmem>>
    %dma_wait3A_145 = tpu.memref_squeeze %dma_wait3A_144 : memref<1x64x128xf32, #tpu.memory_space<vmem>> -> memref<64x128xf32, #tpu.memory_space<vmem>>
    %dma_wait3A_146 = arith.constant 64 : i32
    %dma_wait3A_147 = tpu.memref_slice %arg9[%dma_wait3A_146] : memref<512xi32, #tpu.memory_space<vmem>> -> memref<64xi32, #tpu.memory_space<vmem>>
    %dma_wait3A_148 = arith.constant 0 : i32
    %dma_wait3A_149 = arith.constant 0 : i32
    %dma_wait3A_150 = tpu.memref_slice %arg5[%dma_wait3A_148, %dma_wait3A_149] : memref<100000x128xf32, #tpu.memory_space<hbm>> -> memref<100000x128xf32, #tpu.memory_space<hbm>>
    tpu.wait_indirect_dma semaphore(%arg12 : memref<!tpu.dma_semaphore, #tpu.memory_space<semaphore_mem>>) src(%dma_wait3A_150 : memref<100000x128xf32, #tpu.memory_space<hbm>>) dst(%dma_wait3A_145 : memref<64x128xf32, #tpu.memory_space<vmem>>)
    %add3A_151 = arith.constant 64 : i32
    %add3A_152 = arith.addi %mul3A_2, %add3A_151 : i32
    %dma_start3A_153 = arith.constant 1 : i32
    %dma_start3A_154 = arith.constant 0 : i32
    %dma_start3A_155 = arith.constant 0 : i32
    %dma_start3A_156 = tpu.memref_slice %arg10[%dma_start3A_153, %dma_start3A_154, %dma_start3A_155] : memref<4x64x128xf32, #tpu.memory_space<vmem>> -> memref<1x64x128xf32, #tpu.memory_space<vmem>>
    %dma_start3A_157 = tpu.memref_squeeze %dma_start3A_156 : memref<1x64x128xf32, #tpu.memory_space<vmem>> -> memref<64x128xf32, #tpu.memory_space<vmem>>
    %dma_start3A_158 = arith.constant 0 : i32
    %dma_start3A_159 = tpu.memref_slice %arg6[%add3A_152, %dma_start3A_158] : memref<16384x128xf32, #tpu.memory_space<hbm>> -> memref<64x128xf32, #tpu.memory_space<hbm>>
    %dma_start3A_160 = arith.constant 0 : i32
    %dma_start3A_161 = tpu.memref_slice %arg6[%add3A_152, %dma_start3A_160] : memref<16384x128xf32, #tpu.memory_space<hbm>> -> memref<64x128xf32, #tpu.memory_space<hbm>>
    %dma_start3A_162 = arith.constant 0 : i32
    %dma_start3A_163 = arith.constant 0 : i32
    %dma_start3A_164 = tpu.memref_slice %arg10[%dma_start3A_153, %dma_start3A_162, %dma_start3A_163] : memref<4x64x128xf32, #tpu.memory_space<vmem>> -> memref<1x64x128xf32, #tpu.memory_space<vmem>>
    %dma_start3A_165 = tpu.memref_squeeze %dma_start3A_164 : memref<1x64x128xf32, #tpu.memory_space<vmem>> -> memref<64x128xf32, #tpu.memory_space<vmem>>
    tpu.enqueue_dma source(%dma_start3A_165 : memref<64x128xf32, #tpu.memory_space<vmem>>) target(%dma_start3A_161 : memref<64x128xf32, #tpu.memory_space<hbm>>) target_semaphore(%arg13 : memref<!tpu.dma_semaphore, #tpu.memory_space<semaphore_mem>>)
    %add3A_166 = arith.constant 64 : i32
    %add3A_167 = arith.addi %mul3A_2, %add3A_166 : i32
    %dma_start3A_168 = arith.constant 1 : i32
    %dma_start3A_169 = arith.constant 0 : i32
    %dma_start3A_170 = arith.constant 0 : i32
    %dma_start3A_171 = tpu.memref_slice %arg11[%dma_start3A_168, %dma_start3A_169, %dma_start3A_170] : memref<4x64x128xf32, #tpu.memory_space<vmem>> -> memref<1x64x128xf32, #tpu.memory_space<vmem>>
    %dma_start3A_172 = tpu.memref_squeeze %dma_start3A_171 : memref<1x64x128xf32, #tpu.memory_space<vmem>> -> memref<64x128xf32, #tpu.memory_space<vmem>>
    %dma_start3A_173 = arith.constant 0 : i32
    %dma_start3A_174 = tpu.memref_slice %arg7[%add3A_167, %dma_start3A_173] : memref<16384x128xf32, #tpu.memory_space<hbm>> -> memref<64x128xf32, #tpu.memory_space<hbm>>
    %dma_start3A_175 = arith.constant 0 : i32
    %dma_start3A_176 = tpu.memref_slice %arg7[%add3A_167, %dma_start3A_175] : memref<16384x128xf32, #tpu.memory_space<hbm>> -> memref<64x128xf32, #tpu.memory_space<hbm>>
    %dma_start3A_177 = arith.constant 0 : i32
    %dma_start3A_178 = arith.constant 0 : i32
    %dma_start3A_179 = tpu.memref_slice %arg11[%dma_start3A_168, %dma_start3A_177, %dma_start3A_178] : memref<4x64x128xf32, #tpu.memory_space<vmem>> -> memref<1x64x128xf32, #tpu.memory_space<vmem>>
    %dma_start3A_180 = tpu.memref_squeeze %dma_start3A_179 : memref<1x64x128xf32, #tpu.memory_space<vmem>> -> memref<64x128xf32, #tpu.memory_space<vmem>>
    tpu.enqueue_dma source(%dma_start3A_180 : memref<64x128xf32, #tpu.memory_space<vmem>>) target(%dma_start3A_176 : memref<64x128xf32, #tpu.memory_space<hbm>>) target_semaphore(%arg13 : memref<!tpu.dma_semaphore, #tpu.memory_space<semaphore_mem>>)
    %dma_wait3A_181 = arith.constant 0 : i32
    %dma_wait3A_182 = arith.constant 0 : i32
    %dma_wait3A_183 = arith.constant 0 : i32
    %dma_wait3A_184 = tpu.memref_slice %arg10[%dma_wait3A_181, %dma_wait3A_182, %dma_wait3A_183] : memref<4x64x128xf32, #tpu.memory_space<vmem>> -> memref<1x64x128xf32, #tpu.memory_space<vmem>>
    %dma_wait3A_185 = tpu.memref_squeeze %dma_wait3A_184 : memref<1x64x128xf32, #tpu.memory_space<vmem>> -> memref<64x128xf32, #tpu.memory_space<vmem>>
    %dma_wait3A_186 = arith.constant 0 : i32
    %dma_wait3A_187 = tpu.memref_slice %arg6[%add3A_82, %dma_wait3A_186] : memref<16384x128xf32, #tpu.memory_space<hbm>> -> memref<64x128xf32, #tpu.memory_space<hbm>>
    %dma_wait3A_188 = arith.constant 0 : i32
    %dma_wait3A_189 = tpu.memref_slice %arg6[%add3A_82, %dma_wait3A_188] : memref<16384x128xf32, #tpu.memory_space<hbm>> -> memref<64x128xf32, #tpu.memory_space<hbm>>
    %dma_wait3A_190 = arith.constant 0 : i32
    %dma_wait3A_191 = arith.constant 0 : i32
    %dma_wait3A_192 = tpu.memref_slice %arg10[%dma_wait3A_181, %dma_wait3A_190, %dma_wait3A_191] : memref<4x64x128xf32, #tpu.memory_space<vmem>> -> memref<1x64x128xf32, #tpu.memory_space<vmem>>
    %dma_wait3A_193 = tpu.memref_squeeze %dma_wait3A_192 : memref<1x64x128xf32, #tpu.memory_space<vmem>> -> memref<64x128xf32, #tpu.memory_space<vmem>>
    tpu.wait_dma2 semaphore(%arg13 : memref<!tpu.dma_semaphore, #tpu.memory_space<semaphore_mem>>) src(%dma_wait3A_193 : memref<64x128xf32, #tpu.memory_space<vmem>>) dst(%dma_wait3A_189 : memref<64x128xf32, #tpu.memory_space<hbm>>)
    %dma_wait3A_194 = arith.constant 0 : i32
    %dma_wait3A_195 = arith.constant 0 : i32
    %dma_wait3A_196 = arith.constant 0 : i32
    %dma_wait3A_197 = tpu.memref_slice %arg11[%dma_wait3A_194, %dma_wait3A_195, %dma_wait3A_196] : memref<4x64x128xf32, #tpu.memory_space<vmem>> -> memref<1x64x128xf32, #tpu.memory_space<vmem>>
    %dma_wait3A_198 = tpu.memref_squeeze %dma_wait3A_197 : memref<1x64x128xf32, #tpu.memory_space<vmem>> -> memref<64x128xf32, #tpu.memory_space<vmem>>
    %dma_wait3A_199 = arith.constant 0 : i32
    %dma_wait3A_200 = tpu.memref_slice %arg7[%add3A_97, %dma_wait3A_199] : memref<16384x128xf32, #tpu.memory_space<hbm>> -> memref<64x128xf32, #tpu.memory_space<hbm>>
    %dma_wait3A_201 = arith.constant 0 : i32
    %dma_wait3A_202 = tpu.memref_slice %arg7[%add3A_97, %dma_wait3A_201] : memref<16384x128xf32, #tpu.memory_space<hbm>> -> memref<64x128xf32, #tpu.memory_space<hbm>>
    %dma_wait3A_203 = arith.constant 0 : i32
    %dma_wait3A_204 = arith.constant 0 : i32
    %dma_wait3A_205 = tpu.memref_slice %arg11[%dma_wait3A_194, %dma_wait3A_203, %dma_wait3A_204] : memref<4x64x128xf32, #tpu.memory_space<vmem>> -> memref<1x64x128xf32, #tpu.memory_space<vmem>>
    %dma_wait3A_206 = tpu.memref_squeeze %dma_wait3A_205 : memref<1x64x128xf32, #tpu.memory_space<vmem>> -> memref<64x128xf32, #tpu.memory_space<vmem>>
    tpu.wait_dma2 semaphore(%arg13 : memref<!tpu.dma_semaphore, #tpu.memory_space<semaphore_mem>>) src(%dma_wait3A_206 : memref<64x128xf32, #tpu.memory_space<vmem>>) dst(%dma_wait3A_202 : memref<64x128xf32, #tpu.memory_space<hbm>>)
    %dma_start3A_207 = arith.constant 0 : i32
    %dma_start3A_208 = arith.constant 0 : i32
    %dma_start3A_209 = arith.constant 0 : i32
    %dma_start3A_210 = tpu.memref_slice %arg10[%dma_start3A_207, %dma_start3A_208, %dma_start3A_209] : memref<4x64x128xf32, #tpu.memory_space<vmem>> -> memref<1x64x128xf32, #tpu.memory_space<vmem>>
    %dma_start3A_211 = tpu.memref_squeeze %dma_start3A_210 : memref<1x64x128xf32, #tpu.memory_space<vmem>> -> memref<64x128xf32, #tpu.memory_space<vmem>>
    %dma_start3A_212 = arith.constant 256 : i32
    %dma_start3A_213 = tpu.memref_slice %arg8[%dma_start3A_212] : memref<512xi32, #tpu.memory_space<vmem>> -> memref<64xi32, #tpu.memory_space<vmem>>
    %dma_start3A_214 = arith.constant 0 : i32
    %dma_start3A_215 = arith.constant 0 : i32
    %dma_start3A_216 = tpu.memref_slice %arg4[%dma_start3A_214, %dma_start3A_215] : memref<100000x128xf32, #tpu.memory_space<hbm>> -> memref<100000x128xf32, #tpu.memory_space<hbm>>
    tpu.enqueue_indirect_dma source(%dma_start3A_216 : memref<100000x128xf32, #tpu.memory_space<hbm>>) target(%dma_start3A_211 : memref<64x128xf32, #tpu.memory_space<vmem>>) offsets(%dma_start3A_213 : memref<64xi32, #tpu.memory_space<vmem>>) semaphore(%arg12 : memref<!tpu.dma_semaphore, #tpu.memory_space<semaphore_mem>>)
    %dma_start3A_217 = arith.constant 0 : i32
    %dma_start3A_218 = arith.constant 0 : i32
    %dma_start3A_219 = arith.constant 0 : i32
    %dma_start3A_220 = tpu.memref_slice %arg11[%dma_start3A_217, %dma_start3A_218, %dma_start3A_219] : memref<4x64x128xf32, #tpu.memory_space<vmem>> -> memref<1x64x128xf32, #tpu.memory_space<vmem>>
    %dma_start3A_221 = tpu.memref_squeeze %dma_start3A_220 : memref<1x64x128xf32, #tpu.memory_space<vmem>> -> memref<64x128xf32, #tpu.memory_space<vmem>>
    %dma_start3A_222 = arith.constant 256 : i32
    %dma_start3A_223 = tpu.memref_slice %arg9[%dma_start3A_222] : memref<512xi32, #tpu.memory_space<vmem>> -> memref<64xi32, #tpu.memory_space<vmem>>
    %dma_start3A_224 = arith.constant 0 : i32
    %dma_start3A_225 = arith.constant 0 : i32
    %dma_start3A_226 = tpu.memref_slice %arg5[%dma_start3A_224, %dma_start3A_225] : memref<100000x128xf32, #tpu.memory_space<hbm>> -> memref<100000x128xf32, #tpu.memory_space<hbm>>
    tpu.enqueue_indirect_dma source(%dma_start3A_226 : memref<100000x128xf32, #tpu.memory_space<hbm>>) target(%dma_start3A_221 : memref<64x128xf32, #tpu.memory_space<vmem>>) offsets(%dma_start3A_223 : memref<64xi32, #tpu.memory_space<vmem>>) semaphore(%arg12 : memref<!tpu.dma_semaphore, #tpu.memory_space<semaphore_mem>>)
    %dma_wait3A_227 = arith.constant 2 : i32
    %dma_wait3A_228 = arith.constant 0 : i32
    %dma_wait3A_229 = arith.constant 0 : i32
    %dma_wait3A_230 = tpu.memref_slice %arg10[%dma_wait3A_227, %dma_wait3A_228, %dma_wait3A_229] : memref<4x64x128xf32, #tpu.memory_space<vmem>> -> memref<1x64x128xf32, #tpu.memory_space<vmem>>
    %dma_wait3A_231 = tpu.memref_squeeze %dma_wait3A_230 : memref<1x64x128xf32, #tpu.memory_space<vmem>> -> memref<64x128xf32, #tpu.memory_space<vmem>>
    %dma_wait3A_232 = arith.constant 128 : i32
    %dma_wait3A_233 = tpu.memref_slice %arg8[%dma_wait3A_232] : memref<512xi32, #tpu.memory_space<vmem>> -> memref<64xi32, #tpu.memory_space<vmem>>
    %dma_wait3A_234 = arith.constant 0 : i32
    %dma_wait3A_235 = arith.constant 0 : i32
    %dma_wait3A_236 = tpu.memref_slice %arg4[%dma_wait3A_234, %dma_wait3A_235] : memref<100000x128xf32, #tpu.memory_space<hbm>> -> memref<100000x128xf32, #tpu.memory_space<hbm>>
    tpu.wait_indirect_dma semaphore(%arg12 : memref<!tpu.dma_semaphore, #tpu.memory_space<semaphore_mem>>) src(%dma_wait3A_236 : memref<100000x128xf32, #tpu.memory_space<hbm>>) dst(%dma_wait3A_231 : memref<64x128xf32, #tpu.memory_space<vmem>>)
    %dma_wait3A_237 = arith.constant 2 : i32
    %dma_wait3A_238 = arith.constant 0 : i32
    %dma_wait3A_239 = arith.constant 0 : i32
    %dma_wait3A_240 = tpu.memref_slice %arg11[%dma_wait3A_237, %dma_wait3A_238, %dma_wait3A_239] : memref<4x64x128xf32, #tpu.memory_space<vmem>> -> memref<1x64x128xf32, #tpu.memory_space<vmem>>
    %dma_wait3A_241 = tpu.memref_squeeze %dma_wait3A_240 : memref<1x64x128xf32, #tpu.memory_space<vmem>> -> memref<64x128xf32, #tpu.memory_space<vmem>>
    %dma_wait3A_242 = arith.constant 128 : i32
    %dma_wait3A_243 = tpu.memref_slice %arg9[%dma_wait3A_242] : memref<512xi32, #tpu.memory_space<vmem>> -> memref<64xi32, #tpu.memory_space<vmem>>
    %dma_wait3A_244 = arith.constant 0 : i32
    %dma_wait3A_245 = arith.constant 0 : i32
    %dma_wait3A_246 = tpu.memref_slice %arg5[%dma_wait3A_244, %dma_wait3A_245] : memref<100000x128xf32, #tpu.memory_space<hbm>> -> memref<100000x128xf32, #tpu.memory_space<hbm>>
    tpu.wait_indirect_dma semaphore(%arg12 : memref<!tpu.dma_semaphore, #tpu.memory_space<semaphore_mem>>) src(%dma_wait3A_246 : memref<100000x128xf32, #tpu.memory_space<hbm>>) dst(%dma_wait3A_241 : memref<64x128xf32, #tpu.memory_space<vmem>>)
    %add3A_247 = arith.constant 128 : i32
    %add3A_248 = arith.addi %mul3A_2, %add3A_247 : i32
    %dma_start3A_249 = arith.constant 2 : i32
    %dma_start3A_250 = arith.constant 0 : i32
    %dma_start3A_251 = arith.constant 0 : i32
    %dma_start3A_252 = tpu.memref_slice %arg10[%dma_start3A_249, %dma_start3A_250, %dma_start3A_251] : memref<4x64x128xf32, #tpu.memory_space<vmem>> -> memref<1x64x128xf32, #tpu.memory_space<vmem>>
    %dma_start3A_253 = tpu.memref_squeeze %dma_start3A_252 : memref<1x64x128xf32, #tpu.memory_space<vmem>> -> memref<64x128xf32, #tpu.memory_space<vmem>>
    %dma_start3A_254 = arith.constant 0 : i32
    %dma_start3A_255 = tpu.memref_slice %arg6[%add3A_248, %dma_start3A_254] : memref<16384x128xf32, #tpu.memory_space<hbm>> -> memref<64x128xf32, #tpu.memory_space<hbm>>
    %dma_start3A_256 = arith.constant 0 : i32
    %dma_start3A_257 = tpu.memref_slice %arg6[%add3A_248, %dma_start3A_256] : memref<16384x128xf32, #tpu.memory_space<hbm>> -> memref<64x128xf32, #tpu.memory_space<hbm>>
    %dma_start3A_258 = arith.constant 0 : i32
    %dma_start3A_259 = arith.constant 0 : i32
    %dma_start3A_260 = tpu.memref_slice %arg10[%dma_start3A_249, %dma_start3A_258, %dma_start3A_259] : memref<4x64x128xf32, #tpu.memory_space<vmem>> -> memref<1x64x128xf32, #tpu.memory_space<vmem>>
    %dma_start3A_261 = tpu.memref_squeeze %dma_start3A_260 : memref<1x64x128xf32, #tpu.memory_space<vmem>> -> memref<64x128xf32, #tpu.memory_space<vmem>>
    tpu.enqueue_dma source(%dma_start3A_261 : memref<64x128xf32, #tpu.memory_space<vmem>>) target(%dma_start3A_257 : memref<64x128xf32, #tpu.memory_space<hbm>>) target_semaphore(%arg13 : memref<!tpu.dma_semaphore, #tpu.memory_space<semaphore_mem>>)
    %add3A_262 = arith.constant 128 : i32
    %add3A_263 = arith.addi %mul3A_2, %add3A_262 : i32
    %dma_start3A_264 = arith.constant 2 : i32
    %dma_start3A_265 = arith.constant 0 : i32
    %dma_start3A_266 = arith.constant 0 : i32
    %dma_start3A_267 = tpu.memref_slice %arg11[%dma_start3A_264, %dma_start3A_265, %dma_start3A_266] : memref<4x64x128xf32, #tpu.memory_space<vmem>> -> memref<1x64x128xf32, #tpu.memory_space<vmem>>
    %dma_start3A_268 = tpu.memref_squeeze %dma_start3A_267 : memref<1x64x128xf32, #tpu.memory_space<vmem>> -> memref<64x128xf32, #tpu.memory_space<vmem>>
    %dma_start3A_269 = arith.constant 0 : i32
    %dma_start3A_270 = tpu.memref_slice %arg7[%add3A_263, %dma_start3A_269] : memref<16384x128xf32, #tpu.memory_space<hbm>> -> memref<64x128xf32, #tpu.memory_space<hbm>>
    %dma_start3A_271 = arith.constant 0 : i32
    %dma_start3A_272 = tpu.memref_slice %arg7[%add3A_263, %dma_start3A_271] : memref<16384x128xf32, #tpu.memory_space<hbm>> -> memref<64x128xf32, #tpu.memory_space<hbm>>
    %dma_start3A_273 = arith.constant 0 : i32
    %dma_start3A_274 = arith.constant 0 : i32
    %dma_start3A_275 = tpu.memref_slice %arg11[%dma_start3A_264, %dma_start3A_273, %dma_start3A_274] : memref<4x64x128xf32, #tpu.memory_space<vmem>> -> memref<1x64x128xf32, #tpu.memory_space<vmem>>
    %dma_start3A_276 = tpu.memref_squeeze %dma_start3A_275 : memref<1x64x128xf32, #tpu.memory_space<vmem>> -> memref<64x128xf32, #tpu.memory_space<vmem>>
    tpu.enqueue_dma source(%dma_start3A_276 : memref<64x128xf32, #tpu.memory_space<vmem>>) target(%dma_start3A_272 : memref<64x128xf32, #tpu.memory_space<hbm>>) target_semaphore(%arg13 : memref<!tpu.dma_semaphore, #tpu.memory_space<semaphore_mem>>)
    %dma_wait3A_277 = arith.constant 1 : i32
    %dma_wait3A_278 = arith.constant 0 : i32
    %dma_wait3A_279 = arith.constant 0 : i32
    %dma_wait3A_280 = tpu.memref_slice %arg10[%dma_wait3A_277, %dma_wait3A_278, %dma_wait3A_279] : memref<4x64x128xf32, #tpu.memory_space<vmem>> -> memref<1x64x128xf32, #tpu.memory_space<vmem>>
    %dma_wait3A_281 = tpu.memref_squeeze %dma_wait3A_280 : memref<1x64x128xf32, #tpu.memory_space<vmem>> -> memref<64x128xf32, #tpu.memory_space<vmem>>
    %dma_wait3A_282 = arith.constant 0 : i32
    %dma_wait3A_283 = tpu.memref_slice %arg6[%add3A_152, %dma_wait3A_282] : memref<16384x128xf32, #tpu.memory_space<hbm>> -> memref<64x128xf32, #tpu.memory_space<hbm>>
    %dma_wait3A_284 = arith.constant 0 : i32
    %dma_wait3A_285 = tpu.memref_slice %arg6[%add3A_152, %dma_wait3A_284] : memref<16384x128xf32, #tpu.memory_space<hbm>> -> memref<64x128xf32, #tpu.memory_space<hbm>>
    %dma_wait3A_286 = arith.constant 0 : i32
    %dma_wait3A_287 = arith.constant 0 : i32
    %dma_wait3A_288 = tpu.memref_slice %arg10[%dma_wait3A_277, %dma_wait3A_286, %dma_wait3A_287] : memref<4x64x128xf32, #tpu.memory_space<vmem>> -> memref<1x64x128xf32, #tpu.memory_space<vmem>>
    %dma_wait3A_289 = tpu.memref_squeeze %dma_wait3A_288 : memref<1x64x128xf32, #tpu.memory_space<vmem>> -> memref<64x128xf32, #tpu.memory_space<vmem>>
    tpu.wait_dma2 semaphore(%arg13 : memref<!tpu.dma_semaphore, #tpu.memory_space<semaphore_mem>>) src(%dma_wait3A_289 : memref<64x128xf32, #tpu.memory_space<vmem>>) dst(%dma_wait3A_285 : memref<64x128xf32, #tpu.memory_space<hbm>>)
    %dma_wait3A_290 = arith.constant 1 : i32
    %dma_wait3A_291 = arith.constant 0 : i32
    %dma_wait3A_292 = arith.constant 0 : i32
    %dma_wait3A_293 = tpu.memref_slice %arg11[%dma_wait3A_290, %dma_wait3A_291, %dma_wait3A_292] : memref<4x64x128xf32, #tpu.memory_space<vmem>> -> memref<1x64x128xf32, #tpu.memory_space<vmem>>
    %dma_wait3A_294 = tpu.memref_squeeze %dma_wait3A_293 : memref<1x64x128xf32, #tpu.memory_space<vmem>> -> memref<64x128xf32, #tpu.memory_space<vmem>>
    %dma_wait3A_295 = arith.constant 0 : i32
    %dma_wait3A_296 = tpu.memref_slice %arg7[%add3A_167, %dma_wait3A_295] : memref<16384x128xf32, #tpu.memory_space<hbm>> -> memref<64x128xf32, #tpu.memory_space<hbm>>
    %dma_wait3A_297 = arith.constant 0 : i32
    %dma_wait3A_298 = tpu.memref_slice %arg7[%add3A_167, %dma_wait3A_297] : memref<16384x128xf32, #tpu.memory_space<hbm>> -> memref<64x128xf32, #tpu.memory_space<hbm>>
    %dma_wait3A_299 = arith.constant 0 : i32
    %dma_wait3A_300 = arith.constant 0 : i32
    %dma_wait3A_301 = tpu.memref_slice %arg11[%dma_wait3A_290, %dma_wait3A_299, %dma_wait3A_300] : memref<4x64x128xf32, #tpu.memory_space<vmem>> -> memref<1x64x128xf32, #tpu.memory_space<vmem>>
    %dma_wait3A_302 = tpu.memref_squeeze %dma_wait3A_301 : memref<1x64x128xf32, #tpu.memory_space<vmem>> -> memref<64x128xf32, #tpu.memory_space<vmem>>
    tpu.wait_dma2 semaphore(%arg13 : memref<!tpu.dma_semaphore, #tpu.memory_space<semaphore_mem>>) src(%dma_wait3A_302 : memref<64x128xf32, #tpu.memory_space<vmem>>) dst(%dma_wait3A_298 : memref<64x128xf32, #tpu.memory_space<hbm>>)
    %dma_start3A_303 = arith.constant 1 : i32
    %dma_start3A_304 = arith.constant 0 : i32
    %dma_start3A_305 = arith.constant 0 : i32
    %dma_start3A_306 = tpu.memref_slice %arg10[%dma_start3A_303, %dma_start3A_304, %dma_start3A_305] : memref<4x64x128xf32, #tpu.memory_space<vmem>> -> memref<1x64x128xf32, #tpu.memory_space<vmem>>
    %dma_start3A_307 = tpu.memref_squeeze %dma_start3A_306 : memref<1x64x128xf32, #tpu.memory_space<vmem>> -> memref<64x128xf32, #tpu.memory_space<vmem>>
    %dma_start3A_308 = arith.constant 320 : i32
    %dma_start3A_309 = tpu.memref_slice %arg8[%dma_start3A_308] : memref<512xi32, #tpu.memory_space<vmem>> -> memref<64xi32, #tpu.memory_space<vmem>>
    %dma_start3A_310 = arith.constant 0 : i32
    %dma_start3A_311 = arith.constant 0 : i32
    %dma_start3A_312 = tpu.memref_slice %arg4[%dma_start3A_310, %dma_start3A_311] : memref<100000x128xf32, #tpu.memory_space<hbm>> -> memref<100000x128xf32, #tpu.memory_space<hbm>>
    tpu.enqueue_indirect_dma source(%dma_start3A_312 : memref<100000x128xf32, #tpu.memory_space<hbm>>) target(%dma_start3A_307 : memref<64x128xf32, #tpu.memory_space<vmem>>) offsets(%dma_start3A_309 : memref<64xi32, #tpu.memory_space<vmem>>) semaphore(%arg12 : memref<!tpu.dma_semaphore, #tpu.memory_space<semaphore_mem>>)
    %dma_start3A_313 = arith.constant 1 : i32
    %dma_start3A_314 = arith.constant 0 : i32
    %dma_start3A_315 = arith.constant 0 : i32
    %dma_start3A_316 = tpu.memref_slice %arg11[%dma_start3A_313, %dma_start3A_314, %dma_start3A_315] : memref<4x64x128xf32, #tpu.memory_space<vmem>> -> memref<1x64x128xf32, #tpu.memory_space<vmem>>
    %dma_start3A_317 = tpu.memref_squeeze %dma_start3A_316 : memref<1x64x128xf32, #tpu.memory_space<vmem>> -> memref<64x128xf32, #tpu.memory_space<vmem>>
    %dma_start3A_318 = arith.constant 320 : i32
    %dma_start3A_319 = tpu.memref_slice %arg9[%dma_start3A_318] : memref<512xi32, #tpu.memory_space<vmem>> -> memref<64xi32, #tpu.memory_space<vmem>>
    %dma_start3A_320 = arith.constant 0 : i32
    %dma_start3A_321 = arith.constant 0 : i32
    %dma_start3A_322 = tpu.memref_slice %arg5[%dma_start3A_320, %dma_start3A_321] : memref<100000x128xf32, #tpu.memory_space<hbm>> -> memref<100000x128xf32, #tpu.memory_space<hbm>>
    tpu.enqueue_indirect_dma source(%dma_start3A_322 : memref<100000x128xf32, #tpu.memory_space<hbm>>) target(%dma_start3A_317 : memref<64x128xf32, #tpu.memory_space<vmem>>) offsets(%dma_start3A_319 : memref<64xi32, #tpu.memory_space<vmem>>) semaphore(%arg12 : memref<!tpu.dma_semaphore, #tpu.memory_space<semaphore_mem>>)
    %dma_wait3A_323 = arith.constant 3 : i32
    %dma_wait3A_324 = arith.constant 0 : i32
    %dma_wait3A_325 = arith.constant 0 : i32
    %dma_wait3A_326 = tpu.memref_slice %arg10[%dma_wait3A_323, %dma_wait3A_324, %dma_wait3A_325] : memref<4x64x128xf32, #tpu.memory_space<vmem>> -> memref<1x64x128xf32, #tpu.memory_space<vmem>>
    %dma_wait3A_327 = tpu.memref_squeeze %dma_wait3A_326 : memref<1x64x128xf32, #tpu.memory_space<vmem>> -> memref<64x128xf32, #tpu.memory_space<vmem>>
    %dma_wait3A_328 = arith.constant 192 : i32
    %dma_wait3A_329 = tpu.memref_slice %arg8[%dma_wait3A_328] : memref<512xi32, #tpu.memory_space<vmem>> -> memref<64xi32, #tpu.memory_space<vmem>>
    %dma_wait3A_330 = arith.constant 0 : i32
    %dma_wait3A_331 = arith.constant 0 : i32
    %dma_wait3A_332 = tpu.memref_slice %arg4[%dma_wait3A_330, %dma_wait3A_331] : memref<100000x128xf32, #tpu.memory_space<hbm>> -> memref<100000x128xf32, #tpu.memory_space<hbm>>
    tpu.wait_indirect_dma semaphore(%arg12 : memref<!tpu.dma_semaphore, #tpu.memory_space<semaphore_mem>>) src(%dma_wait3A_332 : memref<100000x128xf32, #tpu.memory_space<hbm>>) dst(%dma_wait3A_327 : memref<64x128xf32, #tpu.memory_space<vmem>>)
    %dma_wait3A_333 = arith.constant 3 : i32
    %dma_wait3A_334 = arith.constant 0 : i32
    %dma_wait3A_335 = arith.constant 0 : i32
    %dma_wait3A_336 = tpu.memref_slice %arg11[%dma_wait3A_333, %dma_wait3A_334, %dma_wait3A_335] : memref<4x64x128xf32, #tpu.memory_space<vmem>> -> memref<1x64x128xf32, #tpu.memory_space<vmem>>
    %dma_wait3A_337 = tpu.memref_squeeze %dma_wait3A_336 : memref<1x64x128xf32, #tpu.memory_space<vmem>> -> memref<64x128xf32, #tpu.memory_space<vmem>>
    %dma_wait3A_338 = arith.constant 192 : i32
    %dma_wait3A_339 = tpu.memref_slice %arg9[%dma_wait3A_338] : memref<512xi32, #tpu.memory_space<vmem>> -> memref<64xi32, #tpu.memory_space<vmem>>
    %dma_wait3A_340 = arith.constant 0 : i32
    %dma_wait3A_341 = arith.constant 0 : i32
    %dma_wait3A_342 = tpu.memref_slice %arg5[%dma_wait3A_340, %dma_wait3A_341] : memref<100000x128xf32, #tpu.memory_space<hbm>> -> memref<100000x128xf32, #tpu.memory_space<hbm>>
    tpu.wait_indirect_dma semaphore(%arg12 : memref<!tpu.dma_semaphore, #tpu.memory_space<semaphore_mem>>) src(%dma_wait3A_342 : memref<100000x128xf32, #tpu.memory_space<hbm>>) dst(%dma_wait3A_337 : memref<64x128xf32, #tpu.memory_space<vmem>>)
    %add3A_343 = arith.constant 192 : i32
    %add3A_344 = arith.addi %mul3A_2, %add3A_343 : i32
    %dma_start3A_345 = arith.constant 3 : i32
    %dma_start3A_346 = arith.constant 0 : i32
    %dma_start3A_347 = arith.constant 0 : i32
    %dma_start3A_348 = tpu.memref_slice %arg10[%dma_start3A_345, %dma_start3A_346, %dma_start3A_347] : memref<4x64x128xf32, #tpu.memory_space<vmem>> -> memref<1x64x128xf32, #tpu.memory_space<vmem>>
    %dma_start3A_349 = tpu.memref_squeeze %dma_start3A_348 : memref<1x64x128xf32, #tpu.memory_space<vmem>> -> memref<64x128xf32, #tpu.memory_space<vmem>>
    %dma_start3A_350 = arith.constant 0 : i32
    %dma_start3A_351 = tpu.memref_slice %arg6[%add3A_344, %dma_start3A_350] : memref<16384x128xf32, #tpu.memory_space<hbm>> -> memref<64x128xf32, #tpu.memory_space<hbm>>
    %dma_start3A_352 = arith.constant 0 : i32
    %dma_start3A_353 = tpu.memref_slice %arg6[%add3A_344, %dma_start3A_352] : memref<16384x128xf32, #tpu.memory_space<hbm>> -> memref<64x128xf32, #tpu.memory_space<hbm>>
    %dma_start3A_354 = arith.constant 0 : i32
    %dma_start3A_355 = arith.constant 0 : i32
    %dma_start3A_356 = tpu.memref_slice %arg10[%dma_start3A_345, %dma_start3A_354, %dma_start3A_355] : memref<4x64x128xf32, #tpu.memory_space<vmem>> -> memref<1x64x128xf32, #tpu.memory_space<vmem>>
    %dma_start3A_357 = tpu.memref_squeeze %dma_start3A_356 : memref<1x64x128xf32, #tpu.memory_space<vmem>> -> memref<64x128xf32, #tpu.memory_space<vmem>>
    tpu.enqueue_dma source(%dma_start3A_357 : memref<64x128xf32, #tpu.memory_space<vmem>>) target(%dma_start3A_353 : memref<64x128xf32, #tpu.memory_space<hbm>>) target_semaphore(%arg13 : memref<!tpu.dma_semaphore, #tpu.memory_space<semaphore_mem>>)
    %add3A_358 = arith.constant 192 : i32
    %add3A_359 = arith.addi %mul3A_2, %add3A_358 : i32
    %dma_start3A_360 = arith.constant 3 : i32
    %dma_start3A_361 = arith.constant 0 : i32
    %dma_start3A_362 = arith.constant 0 : i32
    %dma_start3A_363 = tpu.memref_slice %arg11[%dma_start3A_360, %dma_start3A_361, %dma_start3A_362] : memref<4x64x128xf32, #tpu.memory_space<vmem>> -> memref<1x64x128xf32, #tpu.memory_space<vmem>>
    %dma_start3A_364 = tpu.memref_squeeze %dma_start3A_363 : memref<1x64x128xf32, #tpu.memory_space<vmem>> -> memref<64x128xf32, #tpu.memory_space<vmem>>
    %dma_start3A_365 = arith.constant 0 : i32
    %dma_start3A_366 = tpu.memref_slice %arg7[%add3A_359, %dma_start3A_365] : memref<16384x128xf32, #tpu.memory_space<hbm>> -> memref<64x128xf32, #tpu.memory_space<hbm>>
    %dma_start3A_367 = arith.constant 0 : i32
    %dma_start3A_368 = tpu.memref_slice %arg7[%add3A_359, %dma_start3A_367] : memref<16384x128xf32, #tpu.memory_space<hbm>> -> memref<64x128xf32, #tpu.memory_space<hbm>>
    %dma_start3A_369 = arith.constant 0 : i32
    %dma_start3A_370 = arith.constant 0 : i32
    %dma_start3A_371 = tpu.memref_slice %arg11[%dma_start3A_360, %dma_start3A_369, %dma_start3A_370] : memref<4x64x128xf32, #tpu.memory_space<vmem>> -> memref<1x64x128xf32, #tpu.memory_space<vmem>>
    %dma_start3A_372 = tpu.memref_squeeze %dma_start3A_371 : memref<1x64x128xf32, #tpu.memory_space<vmem>> -> memref<64x128xf32, #tpu.memory_space<vmem>>
    tpu.enqueue_dma source(%dma_start3A_372 : memref<64x128xf32, #tpu.memory_space<vmem>>) target(%dma_start3A_368 : memref<64x128xf32, #tpu.memory_space<hbm>>) target_semaphore(%arg13 : memref<!tpu.dma_semaphore, #tpu.memory_space<semaphore_mem>>)
    %dma_wait3A_373 = arith.constant 2 : i32
    %dma_wait3A_374 = arith.constant 0 : i32
    %dma_wait3A_375 = arith.constant 0 : i32
    %dma_wait3A_376 = tpu.memref_slice %arg10[%dma_wait3A_373, %dma_wait3A_374, %dma_wait3A_375] : memref<4x64x128xf32, #tpu.memory_space<vmem>> -> memref<1x64x128xf32, #tpu.memory_space<vmem>>
    %dma_wait3A_377 = tpu.memref_squeeze %dma_wait3A_376 : memref<1x64x128xf32, #tpu.memory_space<vmem>> -> memref<64x128xf32, #tpu.memory_space<vmem>>
    %dma_wait3A_378 = arith.constant 0 : i32
    %dma_wait3A_379 = tpu.memref_slice %arg6[%add3A_248, %dma_wait3A_378] : memref<16384x128xf32, #tpu.memory_space<hbm>> -> memref<64x128xf32, #tpu.memory_space<hbm>>
    %dma_wait3A_380 = arith.constant 0 : i32
    %dma_wait3A_381 = tpu.memref_slice %arg6[%add3A_248, %dma_wait3A_380] : memref<16384x128xf32, #tpu.memory_space<hbm>> -> memref<64x128xf32, #tpu.memory_space<hbm>>
    %dma_wait3A_382 = arith.constant 0 : i32
    %dma_wait3A_383 = arith.constant 0 : i32
    %dma_wait3A_384 = tpu.memref_slice %arg10[%dma_wait3A_373, %dma_wait3A_382, %dma_wait3A_383] : memref<4x64x128xf32, #tpu.memory_space<vmem>> -> memref<1x64x128xf32, #tpu.memory_space<vmem>>
    %dma_wait3A_385 = tpu.memref_squeeze %dma_wait3A_384 : memref<1x64x128xf32, #tpu.memory_space<vmem>> -> memref<64x128xf32, #tpu.memory_space<vmem>>
    tpu.wait_dma2 semaphore(%arg13 : memref<!tpu.dma_semaphore, #tpu.memory_space<semaphore_mem>>) src(%dma_wait3A_385 : memref<64x128xf32, #tpu.memory_space<vmem>>) dst(%dma_wait3A_381 : memref<64x128xf32, #tpu.memory_space<hbm>>)
    %dma_wait3A_386 = arith.constant 2 : i32
    %dma_wait3A_387 = arith.constant 0 : i32
    %dma_wait3A_388 = arith.constant 0 : i32
    %dma_wait3A_389 = tpu.memref_slice %arg11[%dma_wait3A_386, %dma_wait3A_387, %dma_wait3A_388] : memref<4x64x128xf32, #tpu.memory_space<vmem>> -> memref<1x64x128xf32, #tpu.memory_space<vmem>>
    %dma_wait3A_390 = tpu.memref_squeeze %dma_wait3A_389 : memref<1x64x128xf32, #tpu.memory_space<vmem>> -> memref<64x128xf32, #tpu.memory_space<vmem>>
    %dma_wait3A_391 = arith.constant 0 : i32
    %dma_wait3A_392 = tpu.memref_slice %arg7[%add3A_263, %dma_wait3A_391] : memref<16384x128xf32, #tpu.memory_space<hbm>> -> memref<64x128xf32, #tpu.memory_space<hbm>>
    %dma_wait3A_393 = arith.constant 0 : i32
    %dma_wait3A_394 = tpu.memref_slice %arg7[%add3A_263, %dma_wait3A_393] : memref<16384x128xf32, #tpu.memory_space<hbm>> -> memref<64x128xf32, #tpu.memory_space<hbm>>
    %dma_wait3A_395 = arith.constant 0 : i32
    %dma_wait3A_396 = arith.constant 0 : i32
    %dma_wait3A_397 = tpu.memref_slice %arg11[%dma_wait3A_386, %dma_wait3A_395, %dma_wait3A_396] : memref<4x64x128xf32, #tpu.memory_space<vmem>> -> memref<1x64x128xf32, #tpu.memory_space<vmem>>
    %dma_wait3A_398 = tpu.memref_squeeze %dma_wait3A_397 : memref<1x64x128xf32, #tpu.memory_space<vmem>> -> memref<64x128xf32, #tpu.memory_space<vmem>>
    tpu.wait_dma2 semaphore(%arg13 : memref<!tpu.dma_semaphore, #tpu.memory_space<semaphore_mem>>) src(%dma_wait3A_398 : memref<64x128xf32, #tpu.memory_space<vmem>>) dst(%dma_wait3A_394 : memref<64x128xf32, #tpu.memory_space<hbm>>)
    %dma_start3A_399 = arith.constant 2 : i32
    %dma_start3A_400 = arith.constant 0 : i32
    %dma_start3A_401 = arith.constant 0 : i32
    %dma_start3A_402 = tpu.memref_slice %arg10[%dma_start3A_399, %dma_start3A_400, %dma_start3A_401] : memref<4x64x128xf32, #tpu.memory_space<vmem>> -> memref<1x64x128xf32, #tpu.memory_space<vmem>>
    %dma_start3A_403 = tpu.memref_squeeze %dma_start3A_402 : memref<1x64x128xf32, #tpu.memory_space<vmem>> -> memref<64x128xf32, #tpu.memory_space<vmem>>
    %dma_start3A_404 = arith.constant 384 : i32
    %dma_start3A_405 = tpu.memref_slice %arg8[%dma_start3A_404] : memref<512xi32, #tpu.memory_space<vmem>> -> memref<64xi32, #tpu.memory_space<vmem>>
    %dma_start3A_406 = arith.constant 0 : i32
    %dma_start3A_407 = arith.constant 0 : i32
    %dma_start3A_408 = tpu.memref_slice %arg4[%dma_start3A_406, %dma_start3A_407] : memref<100000x128xf32, #tpu.memory_space<hbm>> -> memref<100000x128xf32, #tpu.memory_space<hbm>>
    tpu.enqueue_indirect_dma source(%dma_start3A_408 : memref<100000x128xf32, #tpu.memory_space<hbm>>) target(%dma_start3A_403 : memref<64x128xf32, #tpu.memory_space<vmem>>) offsets(%dma_start3A_405 : memref<64xi32, #tpu.memory_space<vmem>>) semaphore(%arg12 : memref<!tpu.dma_semaphore, #tpu.memory_space<semaphore_mem>>)
    %dma_start3A_409 = arith.constant 2 : i32
    %dma_start3A_410 = arith.constant 0 : i32
    %dma_start3A_411 = arith.constant 0 : i32
    %dma_start3A_412 = tpu.memref_slice %arg11[%dma_start3A_409, %dma_start3A_410, %dma_start3A_411] : memref<4x64x128xf32, #tpu.memory_space<vmem>> -> memref<1x64x128xf32, #tpu.memory_space<vmem>>
    %dma_start3A_413 = tpu.memref_squeeze %dma_start3A_412 : memref<1x64x128xf32, #tpu.memory_space<vmem>> -> memref<64x128xf32, #tpu.memory_space<vmem>>
    %dma_start3A_414 = arith.constant 384 : i32
    %dma_start3A_415 = tpu.memref_slice %arg9[%dma_start3A_414] : memref<512xi32, #tpu.memory_space<vmem>> -> memref<64xi32, #tpu.memory_space<vmem>>
    %dma_start3A_416 = arith.constant 0 : i32
    %dma_start3A_417 = arith.constant 0 : i32
    %dma_start3A_418 = tpu.memref_slice %arg5[%dma_start3A_416, %dma_start3A_417] : memref<100000x128xf32, #tpu.memory_space<hbm>> -> memref<100000x128xf32, #tpu.memory_space<hbm>>
    tpu.enqueue_indirect_dma source(%dma_start3A_418 : memref<100000x128xf32, #tpu.memory_space<hbm>>) target(%dma_start3A_413 : memref<64x128xf32, #tpu.memory_space<vmem>>) offsets(%dma_start3A_415 : memref<64xi32, #tpu.memory_space<vmem>>) semaphore(%arg12 : memref<!tpu.dma_semaphore, #tpu.memory_space<semaphore_mem>>)
    %dma_wait3A_419 = arith.constant 0 : i32
    %dma_wait3A_420 = arith.constant 0 : i32
    %dma_wait3A_421 = arith.constant 0 : i32
    %dma_wait3A_422 = tpu.memref_slice %arg10[%dma_wait3A_419, %dma_wait3A_420, %dma_wait3A_421] : memref<4x64x128xf32, #tpu.memory_space<vmem>> -> memref<1x64x128xf32, #tpu.memory_space<vmem>>
    %dma_wait3A_423 = tpu.memref_squeeze %dma_wait3A_422 : memref<1x64x128xf32, #tpu.memory_space<vmem>> -> memref<64x128xf32, #tpu.memory_space<vmem>>
    %dma_wait3A_424 = arith.constant 256 : i32
    %dma_wait3A_425 = tpu.memref_slice %arg8[%dma_wait3A_424] : memref<512xi32, #tpu.memory_space<vmem>> -> memref<64xi32, #tpu.memory_space<vmem>>
    %dma_wait3A_426 = arith.constant 0 : i32
    %dma_wait3A_427 = arith.constant 0 : i32
    %dma_wait3A_428 = tpu.memref_slice %arg4[%dma_wait3A_426, %dma_wait3A_427] : memref<100000x128xf32, #tpu.memory_space<hbm>> -> memref<100000x128xf32, #tpu.memory_space<hbm>>
    tpu.wait_indirect_dma semaphore(%arg12 : memref<!tpu.dma_semaphore, #tpu.memory_space<semaphore_mem>>) src(%dma_wait3A_428 : memref<100000x128xf32, #tpu.memory_space<hbm>>) dst(%dma_wait3A_423 : memref<64x128xf32, #tpu.memory_space<vmem>>)
    %dma_wait3A_429 = arith.constant 0 : i32
    %dma_wait3A_430 = arith.constant 0 : i32
    %dma_wait3A_431 = arith.constant 0 : i32
    %dma_wait3A_432 = tpu.memref_slice %arg11[%dma_wait3A_429, %dma_wait3A_430, %dma_wait3A_431] : memref<4x64x128xf32, #tpu.memory_space<vmem>> -> memref<1x64x128xf32, #tpu.memory_space<vmem>>
    %dma_wait3A_433 = tpu.memref_squeeze %dma_wait3A_432 : memref<1x64x128xf32, #tpu.memory_space<vmem>> -> memref<64x128xf32, #tpu.memory_space<vmem>>
    %dma_wait3A_434 = arith.constant 256 : i32
    %dma_wait3A_435 = tpu.memref_slice %arg9[%dma_wait3A_434] : memref<512xi32, #tpu.memory_space<vmem>> -> memref<64xi32, #tpu.memory_space<vmem>>
    %dma_wait3A_436 = arith.constant 0 : i32
    %dma_wait3A_437 = arith.constant 0 : i32
    %dma_wait3A_438 = tpu.memref_slice %arg5[%dma_wait3A_436, %dma_wait3A_437] : memref<100000x128xf32, #tpu.memory_space<hbm>> -> memref<100000x128xf32, #tpu.memory_space<hbm>>
    tpu.wait_indirect_dma semaphore(%arg12 : memref<!tpu.dma_semaphore, #tpu.memory_space<semaphore_mem>>) src(%dma_wait3A_438 : memref<100000x128xf32, #tpu.memory_space<hbm>>) dst(%dma_wait3A_433 : memref<64x128xf32, #tpu.memory_space<vmem>>)
    %add3A_439 = arith.constant 256 : i32
    %add3A_440 = arith.addi %mul3A_2, %add3A_439 : i32
    %dma_start3A_441 = arith.constant 0 : i32
    %dma_start3A_442 = arith.constant 0 : i32
    %dma_start3A_443 = arith.constant 0 : i32
    %dma_start3A_444 = tpu.memref_slice %arg10[%dma_start3A_441, %dma_start3A_442, %dma_start3A_443] : memref<4x64x128xf32, #tpu.memory_space<vmem>> -> memref<1x64x128xf32, #tpu.memory_space<vmem>>
    %dma_start3A_445 = tpu.memref_squeeze %dma_start3A_444 : memref<1x64x128xf32, #tpu.memory_space<vmem>> -> memref<64x128xf32, #tpu.memory_space<vmem>>
    %dma_start3A_446 = arith.constant 0 : i32
    %dma_start3A_447 = tpu.memref_slice %arg6[%add3A_440, %dma_start3A_446] : memref<16384x128xf32, #tpu.memory_space<hbm>> -> memref<64x128xf32, #tpu.memory_space<hbm>>
    %dma_start3A_448 = arith.constant 0 : i32
    %dma_start3A_449 = tpu.memref_slice %arg6[%add3A_440, %dma_start3A_448] : memref<16384x128xf32, #tpu.memory_space<hbm>> -> memref<64x128xf32, #tpu.memory_space<hbm>>
    %dma_start3A_450 = arith.constant 0 : i32
    %dma_start3A_451 = arith.constant 0 : i32
    %dma_start3A_452 = tpu.memref_slice %arg10[%dma_start3A_441, %dma_start3A_450, %dma_start3A_451] : memref<4x64x128xf32, #tpu.memory_space<vmem>> -> memref<1x64x128xf32, #tpu.memory_space<vmem>>
    %dma_start3A_453 = tpu.memref_squeeze %dma_start3A_452 : memref<1x64x128xf32, #tpu.memory_space<vmem>> -> memref<64x128xf32, #tpu.memory_space<vmem>>
    tpu.enqueue_dma source(%dma_start3A_453 : memref<64x128xf32, #tpu.memory_space<vmem>>) target(%dma_start3A_449 : memref<64x128xf32, #tpu.memory_space<hbm>>) target_semaphore(%arg13 : memref<!tpu.dma_semaphore, #tpu.memory_space<semaphore_mem>>)
    %add3A_454 = arith.constant 256 : i32
    %add3A_455 = arith.addi %mul3A_2, %add3A_454 : i32
    %dma_start3A_456 = arith.constant 0 : i32
    %dma_start3A_457 = arith.constant 0 : i32
    %dma_start3A_458 = arith.constant 0 : i32
    %dma_start3A_459 = tpu.memref_slice %arg11[%dma_start3A_456, %dma_start3A_457, %dma_start3A_458] : memref<4x64x128xf32, #tpu.memory_space<vmem>> -> memref<1x64x128xf32, #tpu.memory_space<vmem>>
    %dma_start3A_460 = tpu.memref_squeeze %dma_start3A_459 : memref<1x64x128xf32, #tpu.memory_space<vmem>> -> memref<64x128xf32, #tpu.memory_space<vmem>>
    %dma_start3A_461 = arith.constant 0 : i32
    %dma_start3A_462 = tpu.memref_slice %arg7[%add3A_455, %dma_start3A_461] : memref<16384x128xf32, #tpu.memory_space<hbm>> -> memref<64x128xf32, #tpu.memory_space<hbm>>
    %dma_start3A_463 = arith.constant 0 : i32
    %dma_start3A_464 = tpu.memref_slice %arg7[%add3A_455, %dma_start3A_463] : memref<16384x128xf32, #tpu.memory_space<hbm>> -> memref<64x128xf32, #tpu.memory_space<hbm>>
    %dma_start3A_465 = arith.constant 0 : i32
    %dma_start3A_466 = arith.constant 0 : i32
    %dma_start3A_467 = tpu.memref_slice %arg11[%dma_start3A_456, %dma_start3A_465, %dma_start3A_466] : memref<4x64x128xf32, #tpu.memory_space<vmem>> -> memref<1x64x128xf32, #tpu.memory_space<vmem>>
    %dma_start3A_468 = tpu.memref_squeeze %dma_start3A_467 : memref<1x64x128xf32, #tpu.memory_space<vmem>> -> memref<64x128xf32, #tpu.memory_space<vmem>>
    tpu.enqueue_dma source(%dma_start3A_468 : memref<64x128xf32, #tpu.memory_space<vmem>>) target(%dma_start3A_464 : memref<64x128xf32, #tpu.memory_space<hbm>>) target_semaphore(%arg13 : memref<!tpu.dma_semaphore, #tpu.memory_space<semaphore_mem>>)
    %dma_wait3A_469 = arith.constant 3 : i32
    %dma_wait3A_470 = arith.constant 0 : i32
    %dma_wait3A_471 = arith.constant 0 : i32
    %dma_wait3A_472 = tpu.memref_slice %arg10[%dma_wait3A_469, %dma_wait3A_470, %dma_wait3A_471] : memref<4x64x128xf32, #tpu.memory_space<vmem>> -> memref<1x64x128xf32, #tpu.memory_space<vmem>>
    %dma_wait3A_473 = tpu.memref_squeeze %dma_wait3A_472 : memref<1x64x128xf32, #tpu.memory_space<vmem>> -> memref<64x128xf32, #tpu.memory_space<vmem>>
    %dma_wait3A_474 = arith.constant 0 : i32
    %dma_wait3A_475 = tpu.memref_slice %arg6[%add3A_344, %dma_wait3A_474] : memref<16384x128xf32, #tpu.memory_space<hbm>> -> memref<64x128xf32, #tpu.memory_space<hbm>>
    %dma_wait3A_476 = arith.constant 0 : i32
    %dma_wait3A_477 = tpu.memref_slice %arg6[%add3A_344, %dma_wait3A_476] : memref<16384x128xf32, #tpu.memory_space<hbm>> -> memref<64x128xf32, #tpu.memory_space<hbm>>
    %dma_wait3A_478 = arith.constant 0 : i32
    %dma_wait3A_479 = arith.constant 0 : i32
    %dma_wait3A_480 = tpu.memref_slice %arg10[%dma_wait3A_469, %dma_wait3A_478, %dma_wait3A_479] : memref<4x64x128xf32, #tpu.memory_space<vmem>> -> memref<1x64x128xf32, #tpu.memory_space<vmem>>
    %dma_wait3A_481 = tpu.memref_squeeze %dma_wait3A_480 : memref<1x64x128xf32, #tpu.memory_space<vmem>> -> memref<64x128xf32, #tpu.memory_space<vmem>>
    tpu.wait_dma2 semaphore(%arg13 : memref<!tpu.dma_semaphore, #tpu.memory_space<semaphore_mem>>) src(%dma_wait3A_481 : memref<64x128xf32, #tpu.memory_space<vmem>>) dst(%dma_wait3A_477 : memref<64x128xf32, #tpu.memory_space<hbm>>)
    %dma_wait3A_482 = arith.constant 3 : i32
    %dma_wait3A_483 = arith.constant 0 : i32
    %dma_wait3A_484 = arith.constant 0 : i32
    %dma_wait3A_485 = tpu.memref_slice %arg11[%dma_wait3A_482, %dma_wait3A_483, %dma_wait3A_484] : memref<4x64x128xf32, #tpu.memory_space<vmem>> -> memref<1x64x128xf32, #tpu.memory_space<vmem>>
    %dma_wait3A_486 = tpu.memref_squeeze %dma_wait3A_485 : memref<1x64x128xf32, #tpu.memory_space<vmem>> -> memref<64x128xf32, #tpu.memory_space<vmem>>
    %dma_wait3A_487 = arith.constant 0 : i32
    %dma_wait3A_488 = tpu.memref_slice %arg7[%add3A_359, %dma_wait3A_487] : memref<16384x128xf32, #tpu.memory_space<hbm>> -> memref<64x128xf32, #tpu.memory_space<hbm>>
    %dma_wait3A_489 = arith.constant 0 : i32
    %dma_wait3A_490 = tpu.memref_slice %arg7[%add3A_359, %dma_wait3A_489] : memref<16384x128xf32, #tpu.memory_space<hbm>> -> memref<64x128xf32, #tpu.memory_space<hbm>>
    %dma_wait3A_491 = arith.constant 0 : i32
    %dma_wait3A_492 = arith.constant 0 : i32
    %dma_wait3A_493 = tpu.memref_slice %arg11[%dma_wait3A_482, %dma_wait3A_491, %dma_wait3A_492] : memref<4x64x128xf32, #tpu.memory_space<vmem>> -> memref<1x64x128xf32, #tpu.memory_space<vmem>>
    %dma_wait3A_494 = tpu.memref_squeeze %dma_wait3A_493 : memref<1x64x128xf32, #tpu.memory_space<vmem>> -> memref<64x128xf32, #tpu.memory_space<vmem>>
    tpu.wait_dma2 semaphore(%arg13 : memref<!tpu.dma_semaphore, #tpu.memory_space<semaphore_mem>>) src(%dma_wait3A_494 : memref<64x128xf32, #tpu.memory_space<vmem>>) dst(%dma_wait3A_490 : memref<64x128xf32, #tpu.memory_space<hbm>>)
    %dma_start3A_495 = arith.constant 3 : i32
    %dma_start3A_496 = arith.constant 0 : i32
    %dma_start3A_497 = arith.constant 0 : i32
    %dma_start3A_498 = tpu.memref_slice %arg10[%dma_start3A_495, %dma_start3A_496, %dma_start3A_497] : memref<4x64x128xf32, #tpu.memory_space<vmem>> -> memref<1x64x128xf32, #tpu.memory_space<vmem>>
    %dma_start3A_499 = tpu.memref_squeeze %dma_start3A_498 : memref<1x64x128xf32, #tpu.memory_space<vmem>> -> memref<64x128xf32, #tpu.memory_space<vmem>>
    %dma_start3A_500 = arith.constant 448 : i32
    %dma_start3A_501 = tpu.memref_slice %arg8[%dma_start3A_500] : memref<512xi32, #tpu.memory_space<vmem>> -> memref<64xi32, #tpu.memory_space<vmem>>
    %dma_start3A_502 = arith.constant 0 : i32
    %dma_start3A_503 = arith.constant 0 : i32
    %dma_start3A_504 = tpu.memref_slice %arg4[%dma_start3A_502, %dma_start3A_503] : memref<100000x128xf32, #tpu.memory_space<hbm>> -> memref<100000x128xf32, #tpu.memory_space<hbm>>
    tpu.enqueue_indirect_dma source(%dma_start3A_504 : memref<100000x128xf32, #tpu.memory_space<hbm>>) target(%dma_start3A_499 : memref<64x128xf32, #tpu.memory_space<vmem>>) offsets(%dma_start3A_501 : memref<64xi32, #tpu.memory_space<vmem>>) semaphore(%arg12 : memref<!tpu.dma_semaphore, #tpu.memory_space<semaphore_mem>>)
    %dma_start3A_505 = arith.constant 3 : i32
    %dma_start3A_506 = arith.constant 0 : i32
    %dma_start3A_507 = arith.constant 0 : i32
    %dma_start3A_508 = tpu.memref_slice %arg11[%dma_start3A_505, %dma_start3A_506, %dma_start3A_507] : memref<4x64x128xf32, #tpu.memory_space<vmem>> -> memref<1x64x128xf32, #tpu.memory_space<vmem>>
    %dma_start3A_509 = tpu.memref_squeeze %dma_start3A_508 : memref<1x64x128xf32, #tpu.memory_space<vmem>> -> memref<64x128xf32, #tpu.memory_space<vmem>>
    %dma_start3A_510 = arith.constant 448 : i32
    %dma_start3A_511 = tpu.memref_slice %arg9[%dma_start3A_510] : memref<512xi32, #tpu.memory_space<vmem>> -> memref<64xi32, #tpu.memory_space<vmem>>
    %dma_start3A_512 = arith.constant 0 : i32
    %dma_start3A_513 = arith.constant 0 : i32
    %dma_start3A_514 = tpu.memref_slice %arg5[%dma_start3A_512, %dma_start3A_513] : memref<100000x128xf32, #tpu.memory_space<hbm>> -> memref<100000x128xf32, #tpu.memory_space<hbm>>
    tpu.enqueue_indirect_dma source(%dma_start3A_514 : memref<100000x128xf32, #tpu.memory_space<hbm>>) target(%dma_start3A_509 : memref<64x128xf32, #tpu.memory_space<vmem>>) offsets(%dma_start3A_511 : memref<64xi32, #tpu.memory_space<vmem>>) semaphore(%arg12 : memref<!tpu.dma_semaphore, #tpu.memory_space<semaphore_mem>>)
    %dma_wait3A_515 = arith.constant 1 : i32
    %dma_wait3A_516 = arith.constant 0 : i32
    %dma_wait3A_517 = arith.constant 0 : i32
    %dma_wait3A_518 = tpu.memref_slice %arg10[%dma_wait3A_515, %dma_wait3A_516, %dma_wait3A_517] : memref<4x64x128xf32, #tpu.memory_space<vmem>> -> memref<1x64x128xf32, #tpu.memory_space<vmem>>
    %dma_wait3A_519 = tpu.memref_squeeze %dma_wait3A_518 : memref<1x64x128xf32, #tpu.memory_space<vmem>> -> memref<64x128xf32, #tpu.memory_space<vmem>>
    %dma_wait3A_520 = arith.constant 320 : i32
    %dma_wait3A_521 = tpu.memref_slice %arg8[%dma_wait3A_520] : memref<512xi32, #tpu.memory_space<vmem>> -> memref<64xi32, #tpu.memory_space<vmem>>
    %dma_wait3A_522 = arith.constant 0 : i32
    %dma_wait3A_523 = arith.constant 0 : i32
    %dma_wait3A_524 = tpu.memref_slice %arg4[%dma_wait3A_522, %dma_wait3A_523] : memref<100000x128xf32, #tpu.memory_space<hbm>> -> memref<100000x128xf32, #tpu.memory_space<hbm>>
    tpu.wait_indirect_dma semaphore(%arg12 : memref<!tpu.dma_semaphore, #tpu.memory_space<semaphore_mem>>) src(%dma_wait3A_524 : memref<100000x128xf32, #tpu.memory_space<hbm>>) dst(%dma_wait3A_519 : memref<64x128xf32, #tpu.memory_space<vmem>>)
    %dma_wait3A_525 = arith.constant 1 : i32
    %dma_wait3A_526 = arith.constant 0 : i32
    %dma_wait3A_527 = arith.constant 0 : i32
    %dma_wait3A_528 = tpu.memref_slice %arg11[%dma_wait3A_525, %dma_wait3A_526, %dma_wait3A_527] : memref<4x64x128xf32, #tpu.memory_space<vmem>> -> memref<1x64x128xf32, #tpu.memory_space<vmem>>
    %dma_wait3A_529 = tpu.memref_squeeze %dma_wait3A_528 : memref<1x64x128xf32, #tpu.memory_space<vmem>> -> memref<64x128xf32, #tpu.memory_space<vmem>>
    %dma_wait3A_530 = arith.constant 320 : i32
    %dma_wait3A_531 = tpu.memref_slice %arg9[%dma_wait3A_530] : memref<512xi32, #tpu.memory_space<vmem>> -> memref<64xi32, #tpu.memory_space<vmem>>
    %dma_wait3A_532 = arith.constant 0 : i32
    %dma_wait3A_533 = arith.constant 0 : i32
    %dma_wait3A_534 = tpu.memref_slice %arg5[%dma_wait3A_532, %dma_wait3A_533] : memref<100000x128xf32, #tpu.memory_space<hbm>> -> memref<100000x128xf32, #tpu.memory_space<hbm>>
    tpu.wait_indirect_dma semaphore(%arg12 : memref<!tpu.dma_semaphore, #tpu.memory_space<semaphore_mem>>) src(%dma_wait3A_534 : memref<100000x128xf32, #tpu.memory_space<hbm>>) dst(%dma_wait3A_529 : memref<64x128xf32, #tpu.memory_space<vmem>>)
    %add3A_535 = arith.constant 320 : i32
    %add3A_536 = arith.addi %mul3A_2, %add3A_535 : i32
    %dma_start3A_537 = arith.constant 1 : i32
    %dma_start3A_538 = arith.constant 0 : i32
    %dma_start3A_539 = arith.constant 0 : i32
    %dma_start3A_540 = tpu.memref_slice %arg10[%dma_start3A_537, %dma_start3A_538, %dma_start3A_539] : memref<4x64x128xf32, #tpu.memory_space<vmem>> -> memref<1x64x128xf32, #tpu.memory_space<vmem>>
    %dma_start3A_541 = tpu.memref_squeeze %dma_start3A_540 : memref<1x64x128xf32, #tpu.memory_space<vmem>> -> memref<64x128xf32, #tpu.memory_space<vmem>>
    %dma_start3A_542 = arith.constant 0 : i32
    %dma_start3A_543 = tpu.memref_slice %arg6[%add3A_536, %dma_start3A_542] : memref<16384x128xf32, #tpu.memory_space<hbm>> -> memref<64x128xf32, #tpu.memory_space<hbm>>
    %dma_start3A_544 = arith.constant 0 : i32
    %dma_start3A_545 = tpu.memref_slice %arg6[%add3A_536, %dma_start3A_544] : memref<16384x128xf32, #tpu.memory_space<hbm>> -> memref<64x128xf32, #tpu.memory_space<hbm>>
    %dma_start3A_546 = arith.constant 0 : i32
    %dma_start3A_547 = arith.constant 0 : i32
    %dma_start3A_548 = tpu.memref_slice %arg10[%dma_start3A_537, %dma_start3A_546, %dma_start3A_547] : memref<4x64x128xf32, #tpu.memory_space<vmem>> -> memref<1x64x128xf32, #tpu.memory_space<vmem>>
    %dma_start3A_549 = tpu.memref_squeeze %dma_start3A_548 : memref<1x64x128xf32, #tpu.memory_space<vmem>> -> memref<64x128xf32, #tpu.memory_space<vmem>>
    tpu.enqueue_dma source(%dma_start3A_549 : memref<64x128xf32, #tpu.memory_space<vmem>>) target(%dma_start3A_545 : memref<64x128xf32, #tpu.memory_space<hbm>>) target_semaphore(%arg13 : memref<!tpu.dma_semaphore, #tpu.memory_space<semaphore_mem>>)
    %add3A_550 = arith.constant 320 : i32
    %add3A_551 = arith.addi %mul3A_2, %add3A_550 : i32
    %dma_start3A_552 = arith.constant 1 : i32
    %dma_start3A_553 = arith.constant 0 : i32
    %dma_start3A_554 = arith.constant 0 : i32
    %dma_start3A_555 = tpu.memref_slice %arg11[%dma_start3A_552, %dma_start3A_553, %dma_start3A_554] : memref<4x64x128xf32, #tpu.memory_space<vmem>> -> memref<1x64x128xf32, #tpu.memory_space<vmem>>
    %dma_start3A_556 = tpu.memref_squeeze %dma_start3A_555 : memref<1x64x128xf32, #tpu.memory_space<vmem>> -> memref<64x128xf32, #tpu.memory_space<vmem>>
    %dma_start3A_557 = arith.constant 0 : i32
    %dma_start3A_558 = tpu.memref_slice %arg7[%add3A_551, %dma_start3A_557] : memref<16384x128xf32, #tpu.memory_space<hbm>> -> memref<64x128xf32, #tpu.memory_space<hbm>>
    %dma_start3A_559 = arith.constant 0 : i32
    %dma_start3A_560 = tpu.memref_slice %arg7[%add3A_551, %dma_start3A_559] : memref<16384x128xf32, #tpu.memory_space<hbm>> -> memref<64x128xf32, #tpu.memory_space<hbm>>
    %dma_start3A_561 = arith.constant 0 : i32
    %dma_start3A_562 = arith.constant 0 : i32
    %dma_start3A_563 = tpu.memref_slice %arg11[%dma_start3A_552, %dma_start3A_561, %dma_start3A_562] : memref<4x64x128xf32, #tpu.memory_space<vmem>> -> memref<1x64x128xf32, #tpu.memory_space<vmem>>
    %dma_start3A_564 = tpu.memref_squeeze %dma_start3A_563 : memref<1x64x128xf32, #tpu.memory_space<vmem>> -> memref<64x128xf32, #tpu.memory_space<vmem>>
    tpu.enqueue_dma source(%dma_start3A_564 : memref<64x128xf32, #tpu.memory_space<vmem>>) target(%dma_start3A_560 : memref<64x128xf32, #tpu.memory_space<hbm>>) target_semaphore(%arg13 : memref<!tpu.dma_semaphore, #tpu.memory_space<semaphore_mem>>)
    %dma_wait3A_565 = arith.constant 2 : i32
    %dma_wait3A_566 = arith.constant 0 : i32
    %dma_wait3A_567 = arith.constant 0 : i32
    %dma_wait3A_568 = tpu.memref_slice %arg10[%dma_wait3A_565, %dma_wait3A_566, %dma_wait3A_567] : memref<4x64x128xf32, #tpu.memory_space<vmem>> -> memref<1x64x128xf32, #tpu.memory_space<vmem>>
    %dma_wait3A_569 = tpu.memref_squeeze %dma_wait3A_568 : memref<1x64x128xf32, #tpu.memory_space<vmem>> -> memref<64x128xf32, #tpu.memory_space<vmem>>
    %dma_wait3A_570 = arith.constant 384 : i32
    %dma_wait3A_571 = tpu.memref_slice %arg8[%dma_wait3A_570] : memref<512xi32, #tpu.memory_space<vmem>> -> memref<64xi32, #tpu.memory_space<vmem>>
    %dma_wait3A_572 = arith.constant 0 : i32
    %dma_wait3A_573 = arith.constant 0 : i32
    %dma_wait3A_574 = tpu.memref_slice %arg4[%dma_wait3A_572, %dma_wait3A_573] : memref<100000x128xf32, #tpu.memory_space<hbm>> -> memref<100000x128xf32, #tpu.memory_space<hbm>>
    tpu.wait_indirect_dma semaphore(%arg12 : memref<!tpu.dma_semaphore, #tpu.memory_space<semaphore_mem>>) src(%dma_wait3A_574 : memref<100000x128xf32, #tpu.memory_space<hbm>>) dst(%dma_wait3A_569 : memref<64x128xf32, #tpu.memory_space<vmem>>)
    %dma_wait3A_575 = arith.constant 2 : i32
    %dma_wait3A_576 = arith.constant 0 : i32
    %dma_wait3A_577 = arith.constant 0 : i32
    %dma_wait3A_578 = tpu.memref_slice %arg11[%dma_wait3A_575, %dma_wait3A_576, %dma_wait3A_577] : memref<4x64x128xf32, #tpu.memory_space<vmem>> -> memref<1x64x128xf32, #tpu.memory_space<vmem>>
    %dma_wait3A_579 = tpu.memref_squeeze %dma_wait3A_578 : memref<1x64x128xf32, #tpu.memory_space<vmem>> -> memref<64x128xf32, #tpu.memory_space<vmem>>
    %dma_wait3A_580 = arith.constant 384 : i32
    %dma_wait3A_581 = tpu.memref_slice %arg9[%dma_wait3A_580] : memref<512xi32, #tpu.memory_space<vmem>> -> memref<64xi32, #tpu.memory_space<vmem>>
    %dma_wait3A_582 = arith.constant 0 : i32
    %dma_wait3A_583 = arith.constant 0 : i32
    %dma_wait3A_584 = tpu.memref_slice %arg5[%dma_wait3A_582, %dma_wait3A_583] : memref<100000x128xf32, #tpu.memory_space<hbm>> -> memref<100000x128xf32, #tpu.memory_space<hbm>>
    tpu.wait_indirect_dma semaphore(%arg12 : memref<!tpu.dma_semaphore, #tpu.memory_space<semaphore_mem>>) src(%dma_wait3A_584 : memref<100000x128xf32, #tpu.memory_space<hbm>>) dst(%dma_wait3A_579 : memref<64x128xf32, #tpu.memory_space<vmem>>)
    %add3A_585 = arith.constant 384 : i32
    %add3A_586 = arith.addi %mul3A_2, %add3A_585 : i32
    %dma_start3A_587 = arith.constant 2 : i32
    %dma_start3A_588 = arith.constant 0 : i32
    %dma_start3A_589 = arith.constant 0 : i32
    %dma_start3A_590 = tpu.memref_slice %arg10[%dma_start3A_587, %dma_start3A_588, %dma_start3A_589] : memref<4x64x128xf32, #tpu.memory_space<vmem>> -> memref<1x64x128xf32, #tpu.memory_space<vmem>>
    %dma_start3A_591 = tpu.memref_squeeze %dma_start3A_590 : memref<1x64x128xf32, #tpu.memory_space<vmem>> -> memref<64x128xf32, #tpu.memory_space<vmem>>
    %dma_start3A_592 = arith.constant 0 : i32
    %dma_start3A_593 = tpu.memref_slice %arg6[%add3A_586, %dma_start3A_592] : memref<16384x128xf32, #tpu.memory_space<hbm>> -> memref<64x128xf32, #tpu.memory_space<hbm>>
    %dma_start3A_594 = arith.constant 0 : i32
    %dma_start3A_595 = tpu.memref_slice %arg6[%add3A_586, %dma_start3A_594] : memref<16384x128xf32, #tpu.memory_space<hbm>> -> memref<64x128xf32, #tpu.memory_space<hbm>>
    %dma_start3A_596 = arith.constant 0 : i32
    %dma_start3A_597 = arith.constant 0 : i32
    %dma_start3A_598 = tpu.memref_slice %arg10[%dma_start3A_587, %dma_start3A_596, %dma_start3A_597] : memref<4x64x128xf32, #tpu.memory_space<vmem>> -> memref<1x64x128xf32, #tpu.memory_space<vmem>>
    %dma_start3A_599 = tpu.memref_squeeze %dma_start3A_598 : memref<1x64x128xf32, #tpu.memory_space<vmem>> -> memref<64x128xf32, #tpu.memory_space<vmem>>
    tpu.enqueue_dma source(%dma_start3A_599 : memref<64x128xf32, #tpu.memory_space<vmem>>) target(%dma_start3A_595 : memref<64x128xf32, #tpu.memory_space<hbm>>) target_semaphore(%arg13 : memref<!tpu.dma_semaphore, #tpu.memory_space<semaphore_mem>>)
    %add3A_600 = arith.constant 384 : i32
    %add3A_601 = arith.addi %mul3A_2, %add3A_600 : i32
    %dma_start3A_602 = arith.constant 2 : i32
    %dma_start3A_603 = arith.constant 0 : i32
    %dma_start3A_604 = arith.constant 0 : i32
    %dma_start3A_605 = tpu.memref_slice %arg11[%dma_start3A_602, %dma_start3A_603, %dma_start3A_604] : memref<4x64x128xf32, #tpu.memory_space<vmem>> -> memref<1x64x128xf32, #tpu.memory_space<vmem>>
    %dma_start3A_606 = tpu.memref_squeeze %dma_start3A_605 : memref<1x64x128xf32, #tpu.memory_space<vmem>> -> memref<64x128xf32, #tpu.memory_space<vmem>>
    %dma_start3A_607 = arith.constant 0 : i32
    %dma_start3A_608 = tpu.memref_slice %arg7[%add3A_601, %dma_start3A_607] : memref<16384x128xf32, #tpu.memory_space<hbm>> -> memref<64x128xf32, #tpu.memory_space<hbm>>
    %dma_start3A_609 = arith.constant 0 : i32
    %dma_start3A_610 = tpu.memref_slice %arg7[%add3A_601, %dma_start3A_609] : memref<16384x128xf32, #tpu.memory_space<hbm>> -> memref<64x128xf32, #tpu.memory_space<hbm>>
    %dma_start3A_611 = arith.constant 0 : i32
    %dma_start3A_612 = arith.constant 0 : i32
    %dma_start3A_613 = tpu.memref_slice %arg11[%dma_start3A_602, %dma_start3A_611, %dma_start3A_612] : memref<4x64x128xf32, #tpu.memory_space<vmem>> -> memref<1x64x128xf32, #tpu.memory_space<vmem>>
    %dma_start3A_614 = tpu.memref_squeeze %dma_start3A_613 : memref<1x64x128xf32, #tpu.memory_space<vmem>> -> memref<64x128xf32, #tpu.memory_space<vmem>>
    tpu.enqueue_dma source(%dma_start3A_614 : memref<64x128xf32, #tpu.memory_space<vmem>>) target(%dma_start3A_610 : memref<64x128xf32, #tpu.memory_space<hbm>>) target_semaphore(%arg13 : memref<!tpu.dma_semaphore, #tpu.memory_space<semaphore_mem>>)
    %dma_wait3A_615 = arith.constant 3 : i32
    %dma_wait3A_616 = arith.constant 0 : i32
    %dma_wait3A_617 = arith.constant 0 : i32
    %dma_wait3A_618 = tpu.memref_slice %arg10[%dma_wait3A_615, %dma_wait3A_616, %dma_wait3A_617] : memref<4x64x128xf32, #tpu.memory_space<vmem>> -> memref<1x64x128xf32, #tpu.memory_space<vmem>>
    %dma_wait3A_619 = tpu.memref_squeeze %dma_wait3A_618 : memref<1x64x128xf32, #tpu.memory_space<vmem>> -> memref<64x128xf32, #tpu.memory_space<vmem>>
    %dma_wait3A_620 = arith.constant 448 : i32
    %dma_wait3A_621 = tpu.memref_slice %arg8[%dma_wait3A_620] : memref<512xi32, #tpu.memory_space<vmem>> -> memref<64xi32, #tpu.memory_space<vmem>>
    %dma_wait3A_622 = arith.constant 0 : i32
    %dma_wait3A_623 = arith.constant 0 : i32
    %dma_wait3A_624 = tpu.memref_slice %arg4[%dma_wait3A_622, %dma_wait3A_623] : memref<100000x128xf32, #tpu.memory_space<hbm>> -> memref<100000x128xf32, #tpu.memory_space<hbm>>
    tpu.wait_indirect_dma semaphore(%arg12 : memref<!tpu.dma_semaphore, #tpu.memory_space<semaphore_mem>>) src(%dma_wait3A_624 : memref<100000x128xf32, #tpu.memory_space<hbm>>) dst(%dma_wait3A_619 : memref<64x128xf32, #tpu.memory_space<vmem>>)
    %dma_wait3A_625 = arith.constant 3 : i32
    %dma_wait3A_626 = arith.constant 0 : i32
    %dma_wait3A_627 = arith.constant 0 : i32
    %dma_wait3A_628 = tpu.memref_slice %arg11[%dma_wait3A_625, %dma_wait3A_626, %dma_wait3A_627] : memref<4x64x128xf32, #tpu.memory_space<vmem>> -> memref<1x64x128xf32, #tpu.memory_space<vmem>>
    %dma_wait3A_629 = tpu.memref_squeeze %dma_wait3A_628 : memref<1x64x128xf32, #tpu.memory_space<vmem>> -> memref<64x128xf32, #tpu.memory_space<vmem>>
    %dma_wait3A_630 = arith.constant 448 : i32
    %dma_wait3A_631 = tpu.memref_slice %arg9[%dma_wait3A_630] : memref<512xi32, #tpu.memory_space<vmem>> -> memref<64xi32, #tpu.memory_space<vmem>>
    %dma_wait3A_632 = arith.constant 0 : i32
    %dma_wait3A_633 = arith.constant 0 : i32
    %dma_wait3A_634 = tpu.memref_slice %arg5[%dma_wait3A_632, %dma_wait3A_633] : memref<100000x128xf32, #tpu.memory_space<hbm>> -> memref<100000x128xf32, #tpu.memory_space<hbm>>
    tpu.wait_indirect_dma semaphore(%arg12 : memref<!tpu.dma_semaphore, #tpu.memory_space<semaphore_mem>>) src(%dma_wait3A_634 : memref<100000x128xf32, #tpu.memory_space<hbm>>) dst(%dma_wait3A_629 : memref<64x128xf32, #tpu.memory_space<vmem>>)
    %add3A_635 = arith.constant 448 : i32
    %add3A_636 = arith.addi %mul3A_2, %add3A_635 : i32
    %dma_start3A_637 = arith.constant 3 : i32
    %dma_start3A_638 = arith.constant 0 : i32
    %dma_start3A_639 = arith.constant 0 : i32
    %dma_start3A_640 = tpu.memref_slice %arg10[%dma_start3A_637, %dma_start3A_638, %dma_start3A_639] : memref<4x64x128xf32, #tpu.memory_space<vmem>> -> memref<1x64x128xf32, #tpu.memory_space<vmem>>
    %dma_start3A_641 = tpu.memref_squeeze %dma_start3A_640 : memref<1x64x128xf32, #tpu.memory_space<vmem>> -> memref<64x128xf32, #tpu.memory_space<vmem>>
    %dma_start3A_642 = arith.constant 0 : i32
    %dma_start3A_643 = tpu.memref_slice %arg6[%add3A_636, %dma_start3A_642] : memref<16384x128xf32, #tpu.memory_space<hbm>> -> memref<64x128xf32, #tpu.memory_space<hbm>>
    %dma_start3A_644 = arith.constant 0 : i32
    %dma_start3A_645 = tpu.memref_slice %arg6[%add3A_636, %dma_start3A_644] : memref<16384x128xf32, #tpu.memory_space<hbm>> -> memref<64x128xf32, #tpu.memory_space<hbm>>
    %dma_start3A_646 = arith.constant 0 : i32
    %dma_start3A_647 = arith.constant 0 : i32
    %dma_start3A_648 = tpu.memref_slice %arg10[%dma_start3A_637, %dma_start3A_646, %dma_start3A_647] : memref<4x64x128xf32, #tpu.memory_space<vmem>> -> memref<1x64x128xf32, #tpu.memory_space<vmem>>
    %dma_start3A_649 = tpu.memref_squeeze %dma_start3A_648 : memref<1x64x128xf32, #tpu.memory_space<vmem>> -> memref<64x128xf32, #tpu.memory_space<vmem>>
    tpu.enqueue_dma source(%dma_start3A_649 : memref<64x128xf32, #tpu.memory_space<vmem>>) target(%dma_start3A_645 : memref<64x128xf32, #tpu.memory_space<hbm>>) target_semaphore(%arg13 : memref<!tpu.dma_semaphore, #tpu.memory_space<semaphore_mem>>)
    %add3A_650 = arith.constant 448 : i32
    %add3A_651 = arith.addi %mul3A_2, %add3A_650 : i32
    %dma_start3A_652 = arith.constant 3 : i32
    %dma_start3A_653 = arith.constant 0 : i32
    %dma_start3A_654 = arith.constant 0 : i32
    %dma_start3A_655 = tpu.memref_slice %arg11[%dma_start3A_652, %dma_start3A_653, %dma_start3A_654] : memref<4x64x128xf32, #tpu.memory_space<vmem>> -> memref<1x64x128xf32, #tpu.memory_space<vmem>>
    %dma_start3A_656 = tpu.memref_squeeze %dma_start3A_655 : memref<1x64x128xf32, #tpu.memory_space<vmem>> -> memref<64x128xf32, #tpu.memory_space<vmem>>
    %dma_start3A_657 = arith.constant 0 : i32
    %dma_start3A_658 = tpu.memref_slice %arg7[%add3A_651, %dma_start3A_657] : memref<16384x128xf32, #tpu.memory_space<hbm>> -> memref<64x128xf32, #tpu.memory_space<hbm>>
    %dma_start3A_659 = arith.constant 0 : i32
    %dma_start3A_660 = tpu.memref_slice %arg7[%add3A_651, %dma_start3A_659] : memref<16384x128xf32, #tpu.memory_space<hbm>> -> memref<64x128xf32, #tpu.memory_space<hbm>>
    %dma_start3A_661 = arith.constant 0 : i32
    %dma_start3A_662 = arith.constant 0 : i32
    %dma_start3A_663 = tpu.memref_slice %arg11[%dma_start3A_652, %dma_start3A_661, %dma_start3A_662] : memref<4x64x128xf32, #tpu.memory_space<vmem>> -> memref<1x64x128xf32, #tpu.memory_space<vmem>>
    %dma_start3A_664 = tpu.memref_squeeze %dma_start3A_663 : memref<1x64x128xf32, #tpu.memory_space<vmem>> -> memref<64x128xf32, #tpu.memory_space<vmem>>
    tpu.enqueue_dma source(%dma_start3A_664 : memref<64x128xf32, #tpu.memory_space<vmem>>) target(%dma_start3A_660 : memref<64x128xf32, #tpu.memory_space<hbm>>) target_semaphore(%arg13 : memref<!tpu.dma_semaphore, #tpu.memory_space<semaphore_mem>>)
    %dma_wait3A_665 = arith.constant 0 : i32
    %dma_wait3A_666 = arith.constant 0 : i32
    %dma_wait3A_667 = arith.constant 0 : i32
    %dma_wait3A_668 = tpu.memref_slice %arg10[%dma_wait3A_665, %dma_wait3A_666, %dma_wait3A_667] : memref<4x64x128xf32, #tpu.memory_space<vmem>> -> memref<1x64x128xf32, #tpu.memory_space<vmem>>
    %dma_wait3A_669 = tpu.memref_squeeze %dma_wait3A_668 : memref<1x64x128xf32, #tpu.memory_space<vmem>> -> memref<64x128xf32, #tpu.memory_space<vmem>>
    %dma_wait3A_670 = arith.constant 0 : i32
    %dma_wait3A_671 = tpu.memref_slice %arg6[%add3A_440, %dma_wait3A_670] : memref<16384x128xf32, #tpu.memory_space<hbm>> -> memref<64x128xf32, #tpu.memory_space<hbm>>
    %dma_wait3A_672 = arith.constant 0 : i32
    %dma_wait3A_673 = tpu.memref_slice %arg6[%add3A_440, %dma_wait3A_672] : memref<16384x128xf32, #tpu.memory_space<hbm>> -> memref<64x128xf32, #tpu.memory_space<hbm>>
    %dma_wait3A_674 = arith.constant 0 : i32
    %dma_wait3A_675 = arith.constant 0 : i32
    %dma_wait3A_676 = tpu.memref_slice %arg10[%dma_wait3A_665, %dma_wait3A_674, %dma_wait3A_675] : memref<4x64x128xf32, #tpu.memory_space<vmem>> -> memref<1x64x128xf32, #tpu.memory_space<vmem>>
    %dma_wait3A_677 = tpu.memref_squeeze %dma_wait3A_676 : memref<1x64x128xf32, #tpu.memory_space<vmem>> -> memref<64x128xf32, #tpu.memory_space<vmem>>
    tpu.wait_dma2 semaphore(%arg13 : memref<!tpu.dma_semaphore, #tpu.memory_space<semaphore_mem>>) src(%dma_wait3A_677 : memref<64x128xf32, #tpu.memory_space<vmem>>) dst(%dma_wait3A_673 : memref<64x128xf32, #tpu.memory_space<hbm>>)
    %dma_wait3A_678 = arith.constant 0 : i32
    %dma_wait3A_679 = arith.constant 0 : i32
    %dma_wait3A_680 = arith.constant 0 : i32
    %dma_wait3A_681 = tpu.memref_slice %arg11[%dma_wait3A_678, %dma_wait3A_679, %dma_wait3A_680] : memref<4x64x128xf32, #tpu.memory_space<vmem>> -> memref<1x64x128xf32, #tpu.memory_space<vmem>>
    %dma_wait3A_682 = tpu.memref_squeeze %dma_wait3A_681 : memref<1x64x128xf32, #tpu.memory_space<vmem>> -> memref<64x128xf32, #tpu.memory_space<vmem>>
    %dma_wait3A_683 = arith.constant 0 : i32
    %dma_wait3A_684 = tpu.memref_slice %arg7[%add3A_455, %dma_wait3A_683] : memref<16384x128xf32, #tpu.memory_space<hbm>> -> memref<64x128xf32, #tpu.memory_space<hbm>>
    %dma_wait3A_685 = arith.constant 0 : i32
    %dma_wait3A_686 = tpu.memref_slice %arg7[%add3A_455, %dma_wait3A_685] : memref<16384x128xf32, #tpu.memory_space<hbm>> -> memref<64x128xf32, #tpu.memory_space<hbm>>
    %dma_wait3A_687 = arith.constant 0 : i32
    %dma_wait3A_688 = arith.constant 0 : i32
    %dma_wait3A_689 = tpu.memref_slice %arg11[%dma_wait3A_678, %dma_wait3A_687, %dma_wait3A_688] : memref<4x64x128xf32, #tpu.memory_space<vmem>> -> memref<1x64x128xf32, #tpu.memory_space<vmem>>
    %dma_wait3A_690 = tpu.memref_squeeze %dma_wait3A_689 : memref<1x64x128xf32, #tpu.memory_space<vmem>> -> memref<64x128xf32, #tpu.memory_space<vmem>>
    tpu.wait_dma2 semaphore(%arg13 : memref<!tpu.dma_semaphore, #tpu.memory_space<semaphore_mem>>) src(%dma_wait3A_690 : memref<64x128xf32, #tpu.memory_space<vmem>>) dst(%dma_wait3A_686 : memref<64x128xf32, #tpu.memory_space<hbm>>)
    %dma_wait3A_691 = arith.constant 1 : i32
    %dma_wait3A_692 = arith.constant 0 : i32
    %dma_wait3A_693 = arith.constant 0 : i32
    %dma_wait3A_694 = tpu.memref_slice %arg10[%dma_wait3A_691, %dma_wait3A_692, %dma_wait3A_693] : memref<4x64x128xf32, #tpu.memory_space<vmem>> -> memref<1x64x128xf32, #tpu.memory_space<vmem>>
    %dma_wait3A_695 = tpu.memref_squeeze %dma_wait3A_694 : memref<1x64x128xf32, #tpu.memory_space<vmem>> -> memref<64x128xf32, #tpu.memory_space<vmem>>
    %dma_wait3A_696 = arith.constant 0 : i32
    %dma_wait3A_697 = tpu.memref_slice %arg6[%add3A_536, %dma_wait3A_696] : memref<16384x128xf32, #tpu.memory_space<hbm>> -> memref<64x128xf32, #tpu.memory_space<hbm>>
    %dma_wait3A_698 = arith.constant 0 : i32
    %dma_wait3A_699 = tpu.memref_slice %arg6[%add3A_536, %dma_wait3A_698] : memref<16384x128xf32, #tpu.memory_space<hbm>> -> memref<64x128xf32, #tpu.memory_space<hbm>>
    %dma_wait3A_700 = arith.constant 0 : i32
    %dma_wait3A_701 = arith.constant 0 : i32
    %dma_wait3A_702 = tpu.memref_slice %arg10[%dma_wait3A_691, %dma_wait3A_700, %dma_wait3A_701] : memref<4x64x128xf32, #tpu.memory_space<vmem>> -> memref<1x64x128xf32, #tpu.memory_space<vmem>>
    %dma_wait3A_703 = tpu.memref_squeeze %dma_wait3A_702 : memref<1x64x128xf32, #tpu.memory_space<vmem>> -> memref<64x128xf32, #tpu.memory_space<vmem>>
    tpu.wait_dma2 semaphore(%arg13 : memref<!tpu.dma_semaphore, #tpu.memory_space<semaphore_mem>>) src(%dma_wait3A_703 : memref<64x128xf32, #tpu.memory_space<vmem>>) dst(%dma_wait3A_699 : memref<64x128xf32, #tpu.memory_space<hbm>>)
    %dma_wait3A_704 = arith.constant 1 : i32
    %dma_wait3A_705 = arith.constant 0 : i32
    %dma_wait3A_706 = arith.constant 0 : i32
    %dma_wait3A_707 = tpu.memref_slice %arg11[%dma_wait3A_704, %dma_wait3A_705, %dma_wait3A_706] : memref<4x64x128xf32, #tpu.memory_space<vmem>> -> memref<1x64x128xf32, #tpu.memory_space<vmem>>
    %dma_wait3A_708 = tpu.memref_squeeze %dma_wait3A_707 : memref<1x64x128xf32, #tpu.memory_space<vmem>> -> memref<64x128xf32, #tpu.memory_space<vmem>>
    %dma_wait3A_709 = arith.constant 0 : i32
    %dma_wait3A_710 = tpu.memref_slice %arg7[%add3A_551, %dma_wait3A_709] : memref<16384x128xf32, #tpu.memory_space<hbm>> -> memref<64x128xf32, #tpu.memory_space<hbm>>
    %dma_wait3A_711 = arith.constant 0 : i32
    %dma_wait3A_712 = tpu.memref_slice %arg7[%add3A_551, %dma_wait3A_711] : memref<16384x128xf32, #tpu.memory_space<hbm>> -> memref<64x128xf32, #tpu.memory_space<hbm>>
    %dma_wait3A_713 = arith.constant 0 : i32
    %dma_wait3A_714 = arith.constant 0 : i32
    %dma_wait3A_715 = tpu.memref_slice %arg11[%dma_wait3A_704, %dma_wait3A_713, %dma_wait3A_714] : memref<4x64x128xf32, #tpu.memory_space<vmem>> -> memref<1x64x128xf32, #tpu.memory_space<vmem>>
    %dma_wait3A_716 = tpu.memref_squeeze %dma_wait3A_715 : memref<1x64x128xf32, #tpu.memory_space<vmem>> -> memref<64x128xf32, #tpu.memory_space<vmem>>
    tpu.wait_dma2 semaphore(%arg13 : memref<!tpu.dma_semaphore, #tpu.memory_space<semaphore_mem>>) src(%dma_wait3A_716 : memref<64x128xf32, #tpu.memory_space<vmem>>) dst(%dma_wait3A_712 : memref<64x128xf32, #tpu.memory_space<hbm>>)
    %dma_wait3A_717 = arith.constant 2 : i32
    %dma_wait3A_718 = arith.constant 0 : i32
    %dma_wait3A_719 = arith.constant 0 : i32
    %dma_wait3A_720 = tpu.memref_slice %arg10[%dma_wait3A_717, %dma_wait3A_718, %dma_wait3A_719] : memref<4x64x128xf32, #tpu.memory_space<vmem>> -> memref<1x64x128xf32, #tpu.memory_space<vmem>>
    %dma_wait3A_721 = tpu.memref_squeeze %dma_wait3A_720 : memref<1x64x128xf32, #tpu.memory_space<vmem>> -> memref<64x128xf32, #tpu.memory_space<vmem>>
    %dma_wait3A_722 = arith.constant 0 : i32
    %dma_wait3A_723 = tpu.memref_slice %arg6[%add3A_586, %dma_wait3A_722] : memref<16384x128xf32, #tpu.memory_space<hbm>> -> memref<64x128xf32, #tpu.memory_space<hbm>>
    %dma_wait3A_724 = arith.constant 0 : i32
    %dma_wait3A_725 = tpu.memref_slice %arg6[%add3A_586, %dma_wait3A_724] : memref<16384x128xf32, #tpu.memory_space<hbm>> -> memref<64x128xf32, #tpu.memory_space<hbm>>
    %dma_wait3A_726 = arith.constant 0 : i32
    %dma_wait3A_727 = arith.constant 0 : i32
    %dma_wait3A_728 = tpu.memref_slice %arg10[%dma_wait3A_717, %dma_wait3A_726, %dma_wait3A_727] : memref<4x64x128xf32, #tpu.memory_space<vmem>> -> memref<1x64x128xf32, #tpu.memory_space<vmem>>
    %dma_wait3A_729 = tpu.memref_squeeze %dma_wait3A_728 : memref<1x64x128xf32, #tpu.memory_space<vmem>> -> memref<64x128xf32, #tpu.memory_space<vmem>>
    tpu.wait_dma2 semaphore(%arg13 : memref<!tpu.dma_semaphore, #tpu.memory_space<semaphore_mem>>) src(%dma_wait3A_729 : memref<64x128xf32, #tpu.memory_space<vmem>>) dst(%dma_wait3A_725 : memref<64x128xf32, #tpu.memory_space<hbm>>)
    %dma_wait3A_730 = arith.constant 2 : i32
    %dma_wait3A_731 = arith.constant 0 : i32
    %dma_wait3A_732 = arith.constant 0 : i32
    %dma_wait3A_733 = tpu.memref_slice %arg11[%dma_wait3A_730, %dma_wait3A_731, %dma_wait3A_732] : memref<4x64x128xf32, #tpu.memory_space<vmem>> -> memref<1x64x128xf32, #tpu.memory_space<vmem>>
    %dma_wait3A_734 = tpu.memref_squeeze %dma_wait3A_733 : memref<1x64x128xf32, #tpu.memory_space<vmem>> -> memref<64x128xf32, #tpu.memory_space<vmem>>
    %dma_wait3A_735 = arith.constant 0 : i32
    %dma_wait3A_736 = tpu.memref_slice %arg7[%add3A_601, %dma_wait3A_735] : memref<16384x128xf32, #tpu.memory_space<hbm>> -> memref<64x128xf32, #tpu.memory_space<hbm>>
    %dma_wait3A_737 = arith.constant 0 : i32
    %dma_wait3A_738 = tpu.memref_slice %arg7[%add3A_601, %dma_wait3A_737] : memref<16384x128xf32, #tpu.memory_space<hbm>> -> memref<64x128xf32, #tpu.memory_space<hbm>>
    %dma_wait3A_739 = arith.constant 0 : i32
    %dma_wait3A_740 = arith.constant 0 : i32
    %dma_wait3A_741 = tpu.memref_slice %arg11[%dma_wait3A_730, %dma_wait3A_739, %dma_wait3A_740] : memref<4x64x128xf32, #tpu.memory_space<vmem>> -> memref<1x64x128xf32, #tpu.memory_space<vmem>>
    %dma_wait3A_742 = tpu.memref_squeeze %dma_wait3A_741 : memref<1x64x128xf32, #tpu.memory_space<vmem>> -> memref<64x128xf32, #tpu.memory_space<vmem>>
    tpu.wait_dma2 semaphore(%arg13 : memref<!tpu.dma_semaphore, #tpu.memory_space<semaphore_mem>>) src(%dma_wait3A_742 : memref<64x128xf32, #tpu.memory_space<vmem>>) dst(%dma_wait3A_738 : memref<64x128xf32, #tpu.memory_space<hbm>>)
    %dma_wait3A_743 = arith.constant 3 : i32
    %dma_wait3A_744 = arith.constant 0 : i32
    %dma_wait3A_745 = arith.constant 0 : i32
    %dma_wait3A_746 = tpu.memref_slice %arg10[%dma_wait3A_743, %dma_wait3A_744, %dma_wait3A_745] : memref<4x64x128xf32, #tpu.memory_space<vmem>> -> memref<1x64x128xf32, #tpu.memory_space<vmem>>
    %dma_wait3A_747 = tpu.memref_squeeze %dma_wait3A_746 : memref<1x64x128xf32, #tpu.memory_space<vmem>> -> memref<64x128xf32, #tpu.memory_space<vmem>>
    %dma_wait3A_748 = arith.constant 0 : i32
    %dma_wait3A_749 = tpu.memref_slice %arg6[%add3A_636, %dma_wait3A_748] : memref<16384x128xf32, #tpu.memory_space<hbm>> -> memref<64x128xf32, #tpu.memory_space<hbm>>
    %dma_wait3A_750 = arith.constant 0 : i32
    %dma_wait3A_751 = tpu.memref_slice %arg6[%add3A_636, %dma_wait3A_750] : memref<16384x128xf32, #tpu.memory_space<hbm>> -> memref<64x128xf32, #tpu.memory_space<hbm>>
    %dma_wait3A_752 = arith.constant 0 : i32
    %dma_wait3A_753 = arith.constant 0 : i32
    %dma_wait3A_754 = tpu.memref_slice %arg10[%dma_wait3A_743, %dma_wait3A_752, %dma_wait3A_753] : memref<4x64x128xf32, #tpu.memory_space<vmem>> -> memref<1x64x128xf32, #tpu.memory_space<vmem>>
    %dma_wait3A_755 = tpu.memref_squeeze %dma_wait3A_754 : memref<1x64x128xf32, #tpu.memory_space<vmem>> -> memref<64x128xf32, #tpu.memory_space<vmem>>
    tpu.wait_dma2 semaphore(%arg13 : memref<!tpu.dma_semaphore, #tpu.memory_space<semaphore_mem>>) src(%dma_wait3A_755 : memref<64x128xf32, #tpu.memory_space<vmem>>) dst(%dma_wait3A_751 : memref<64x128xf32, #tpu.memory_space<hbm>>)
    %dma_wait3A_756 = arith.constant 3 : i32
    %dma_wait3A_757 = arith.constant 0 : i32
    %dma_wait3A_758 = arith.constant 0 : i32
    %dma_wait3A_759 = tpu.memref_slice %arg11[%dma_wait3A_756, %dma_wait3A_757, %dma_wait3A_758] : memref<4x64x128xf32, #tpu.memory_space<vmem>> -> memref<1x64x128xf32, #tpu.memory_space<vmem>>
    %dma_wait3A_760 = tpu.memref_squeeze %dma_wait3A_759 : memref<1x64x128xf32, #tpu.memory_space<vmem>> -> memref<64x128xf32, #tpu.memory_space<vmem>>
    %dma_wait3A_761 = arith.constant 0 : i32
    %dma_wait3A_762 = tpu.memref_slice %arg7[%add3A_651, %dma_wait3A_761] : memref<16384x128xf32, #tpu.memory_space<hbm>> -> memref<64x128xf32, #tpu.memory_space<hbm>>
    %dma_wait3A_763 = arith.constant 0 : i32
    %dma_wait3A_764 = tpu.memref_slice %arg7[%add3A_651, %dma_wait3A_763] : memref<16384x128xf32, #tpu.memory_space<hbm>> -> memref<64x128xf32, #tpu.memory_space<hbm>>
    %dma_wait3A_765 = arith.constant 0 : i32
    %dma_wait3A_766 = arith.constant 0 : i32
    %dma_wait3A_767 = tpu.memref_slice %arg11[%dma_wait3A_756, %dma_wait3A_765, %dma_wait3A_766] : memref<4x64x128xf32, #tpu.memory_space<vmem>> -> memref<1x64x128xf32, #tpu.memory_space<vmem>>
    %dma_wait3A_768 = tpu.memref_squeeze %dma_wait3A_767 : memref<1x64x128xf32, #tpu.memory_space<vmem>> -> memref<64x128xf32, #tpu.memory_space<vmem>>
    tpu.wait_dma2 semaphore(%arg13 : memref<!tpu.dma_semaphore, #tpu.memory_space<semaphore_mem>>) src(%dma_wait3A_768 : memref<64x128xf32, #tpu.memory_space<vmem>>) dst(%dma_wait3A_764 : memref<64x128xf32, #tpu.memory_space<hbm>>)
    return
  }
}

module attributes {stable_mosaic.version = 14 : i64} {
  func.func @_trunk_body(%arg0: i32, %arg1: i32, %arg2: memref<4096x128xf32, #tpu.memory_space<vmem>>, %arg3: memref<4096x128xf32, #tpu.memory_space<vmem>>, %arg4: memref<128x256xf32, #tpu.memory_space<vmem>>, %arg5: memref<128x256xf32, #tpu.memory_space<vmem>>, %arg6: memref<1x256xf32, #tpu.memory_space<vmem>>, %arg7: memref<1x256xf32, #tpu.memory_space<vmem>>, %arg8: memref<1x256xf32, #tpu.memory_space<vmem>>, %arg9: memref<256x128xf32, #tpu.memory_space<vmem>>, %arg10: memref<1x128xf32, #tpu.memory_space<vmem>>, %arg11: memref<1x128xf32, #tpu.memory_space<vmem>>, %arg12: memref<1x128xf32, #tpu.memory_space<vmem>>, %arg13: memref<128x64xf32, #tpu.memory_space<vmem>>, %arg14: memref<1x64xf32, #tpu.memory_space<vmem>>, %arg15: memref<4096x64xf32, #tpu.memory_space<vmem>>, %arg16: memref<2x64xf32, #tpu.memory_space<vmem>>, %arg17: memref<16384x256xf32, #tpu.memory_space<vmem>>, %arg18: memref<16384x128xf32, #tpu.memory_space<vmem>>, %arg19: memref<2x256xf32, #tpu.memory_space<vmem>>, %arg20: memref<2x128xf32, #tpu.memory_space<vmem>>) attributes {dimension_semantics = [#tpu.dimension_semantics<arbitrary>, #tpu.dimension_semantics<arbitrary>], iteration_bounds = array<i64: 3, 4>, scalar_prefetch = 0 : i64, scratch_operands = 4 : i64, tpu.core_type = #tpu.core_type<tc>, window_params = [{transform_indices = @transform_0, window_bounds = array<i64: 4096, 128>}, {transform_indices = @transform_1, window_bounds = array<i64: 4096, 128>}, {pipeline_mode = #tpu.pipeline_mode<synchronous>, transform_indices = @transform_2, window_bounds = array<i64: 128, 256>}, {pipeline_mode = #tpu.pipeline_mode<synchronous>, transform_indices = @transform_3, window_bounds = array<i64: 128, 256>}, {pipeline_mode = #tpu.pipeline_mode<synchronous>, transform_indices = @transform_4, window_bounds = array<i64: 1, 256>}, {pipeline_mode = #tpu.pipeline_mode<synchronous>, transform_indices = @transform_5, window_bounds = array<i64: 1, 256>}, {pipeline_mode = #tpu.pipeline_mode<synchronous>, transform_indices = @transform_6, window_bounds = array<i64: 1, 256>}, {pipeline_mode = #tpu.pipeline_mode<synchronous>, transform_indices = @transform_7, window_bounds = array<i64: 256, 128>}, {pipeline_mode = #tpu.pipeline_mode<synchronous>, transform_indices = @transform_8, window_bounds = array<i64: 1, 128>}, {pipeline_mode = #tpu.pipeline_mode<synchronous>, transform_indices = @transform_9, window_bounds = array<i64: 1, 128>}, {pipeline_mode = #tpu.pipeline_mode<synchronous>, transform_indices = @transform_10, window_bounds = array<i64: 1, 128>}, {pipeline_mode = #tpu.pipeline_mode<synchronous>, transform_indices = @transform_11, window_bounds = array<i64: 128, 64>}, {pipeline_mode = #tpu.pipeline_mode<synchronous>, transform_indices = @transform_12, window_bounds = array<i64: 1, 64>}, {transform_indices = @transform_13, window_bounds = array<i64: 4096, 64>}, {pipeline_mode = #tpu.pipeline_mode<synchronous>, transform_indices = @transform_14, window_bounds = array<i64: 2, 64>}]} {
    %mul3A = arith.constant 4096 : i32
    %mul3A_0 = arith.muli %arg1, %mul3A : i32
    %eq3A = arith.constant 0 : i32
    %eq3A_1 = arith.cmpi eq, %arg0, %eq3A : i32
    %convert_element_type3A = arith.extui %eq3A_1 : i1 to i32
    %cond3A = arith.constant 0 : i32
    %cond3A_2 = arith.cmpi ne, %convert_element_type3A, %cond3A : i32
    scf.if %cond3A_2 {
      %get3A = arith.constant 0 : index
      %get3A_13 = arith.constant 0 : index
      %get3A_14 = vector.load %arg2[%get3A, %get3A_13] : memref<4096x128xf32, #tpu.memory_space<vmem>>, vector<4096x128xf32>
      %convert_element_type3A_15 = arith.truncf %get3A_14 : vector<4096x128xf32> to vector<4096x128xbf16>
      %get3A_16 = arith.constant 0 : index
      %get3A_17 = arith.constant 0 : index
      %get3A_18 = vector.load %arg4[%get3A_16, %get3A_17] : memref<128x256xf32, #tpu.memory_space<vmem>>, vector<128x256xf32>
      %convert_element_type3A_19 = arith.truncf %get3A_18 : vector<128x256xf32> to vector<128x256xbf16>
      %dot_general3A = arith.constant dense<0.000000e+00> : vector<4096x256xf32>
      %dot_general3A_20 = tpu.matmul %convert_element_type3A_15, %convert_element_type3A_19, %dot_general3A {dimension_numbers = #tpu.dot_dimension_numbers<[1], [0], [0], [1], [0, 0, 1, 1], [], []>, transpose_lhs_hint = false} : vector<4096x128xbf16>, vector<128x256xbf16>, vector<4096x256xf32> -> vector<4096x256xf32>
      %get3A_21 = arith.constant 0 : index
      %get3A_22 = arith.constant 0 : index
      %get3A_23 = vector.load %arg3[%get3A_21, %get3A_22] : memref<4096x128xf32, #tpu.memory_space<vmem>>, vector<4096x128xf32>
      %convert_element_type3A_24 = arith.truncf %get3A_23 : vector<4096x128xf32> to vector<4096x128xbf16>
      %get3A_25 = arith.constant 0 : index
      %get3A_26 = arith.constant 0 : index
      %get3A_27 = vector.load %arg5[%get3A_25, %get3A_26] : memref<128x256xf32, #tpu.memory_space<vmem>>, vector<128x256xf32>
      %convert_element_type3A_28 = arith.truncf %get3A_27 : vector<128x256xf32> to vector<128x256xbf16>
      %dot_general3A_29 = arith.constant dense<0.000000e+00> : vector<4096x256xf32>
      %dot_general3A_30 = tpu.matmul %convert_element_type3A_24, %convert_element_type3A_28, %dot_general3A_29 {dimension_numbers = #tpu.dot_dimension_numbers<[1], [0], [0], [1], [0, 0, 1, 1], [], []>, transpose_lhs_hint = false} : vector<4096x128xbf16>, vector<128x256xbf16>, vector<4096x256xf32> -> vector<4096x256xf32>
      %add3A = arith.addf %dot_general3A_20, %dot_general3A_30 : vector<4096x256xf32>
      %get3A_31 = arith.constant 0 : index
      %get3A_32 = arith.constant 0 : index
      %get3A_33 = vector.load %arg6[%get3A_31, %get3A_32] : memref<1x256xf32, #tpu.memory_space<vmem>>, vector<1x256xf32>
      %add3A_34 = vector.broadcast %get3A_33 : vector<1x256xf32> to vector<4096x256xf32>
      %add3A_35 = arith.addf %add3A, %add3A_34 : vector<4096x256xf32>
      %max3A = arith.constant 0.000000e+00 : f32
      %max3A_36 = vector.broadcast %max3A : f32 to vector<4096x256xf32>
      %max3A_37 = arith.maximumf %add3A_35, %max3A_36 : vector<4096x256xf32>
      %swap3A = arith.index_cast %mul3A_0 : i32 to index
      %swap3A_38 = arith.constant 0 : index
      %swap3A_39 = vector.load %arg17[%swap3A, %swap3A_38] : memref<16384x256xf32, #tpu.memory_space<vmem>>, vector<4096x256xf32>
      tpu.vector_store %arg17[%swap3A, %swap3A_38], %max3A_37 {strides = array<i32>} : memref<16384x256xf32, #tpu.memory_space<vmem>>, vector<4096x256xf32>,
      %reduce_sum3A = arith.constant dense<0.000000e+00> : vector<256xf32>
      %reduce_sum3A_40 = vector.multi_reduction <add>, %max3A_37, %reduce_sum3A [0] : vector<4096x256xf32> to vector<256xf32>
      %broadcast_in_dim3A = vector.shape_cast %reduce_sum3A_40 : vector<256xf32> to vector<1x256xf32>
      %mul3A_41 = arith.mulf %max3A_37, %max3A_37 : vector<4096x256xf32>
      %reduce_sum3A_42 = arith.constant dense<0.000000e+00> : vector<256xf32>
      %reduce_sum3A_43 = vector.multi_reduction <add>, %mul3A_41, %reduce_sum3A_42 [0] : vector<4096x256xf32> to vector<256xf32>
      %broadcast_in_dim3A_44 = vector.shape_cast %reduce_sum3A_43 : vector<256xf32> to vector<1x256xf32>
      %concatenate3A = tpu.concatenate %broadcast_in_dim3A, %broadcast_in_dim3A_44 in 0 : vector<1x256xf32>, vector<1x256xf32> -> vector<2x256xf32>
      %eq3A_45 = arith.constant 0 : i32
      %eq3A_46 = arith.cmpi eq, %arg1, %eq3A_45 : i32
      %convert_element_type3A_47 = arith.extui %eq3A_46 : i1 to i32
      %cond3A_48 = arith.constant 0 : i32
      %cond3A_49 = arith.cmpi ne, %convert_element_type3A_47, %cond3A_48 : i32
      scf.if %cond3A_49 {
        %swap3A_54 = arith.constant 0 : index
        %swap3A_55 = arith.constant 0 : index
        %swap3A_56 = vector.load %arg19[%swap3A_54, %swap3A_55] : memref<2x256xf32, #tpu.memory_space<vmem>>, vector<2x256xf32>
        tpu.vector_store %arg19[%swap3A_54, %swap3A_55], %concatenate3A {strides = array<i32>} : memref<2x256xf32, #tpu.memory_space<vmem>>, vector<2x256xf32>,
      } else {
      }
      %gt3A = arith.constant 0 : i32
      %gt3A_50 = arith.cmpi sgt, %arg1, %gt3A : i32
      %convert_element_type3A_51 = arith.extui %gt3A_50 : i1 to i32
      %cond3A_52 = arith.constant 0 : i32
      %cond3A_53 = arith.cmpi ne, %convert_element_type3A_51, %cond3A_52 : i32
      scf.if %cond3A_53 {
        %get3A_54 = arith.constant 0 : index
        %get3A_55 = arith.constant 0 : index
        %get3A_56 = vector.load %arg19[%get3A_54, %get3A_55] : memref<2x256xf32, #tpu.memory_space<vmem>>, vector<2x256xf32>
        %add3A_57 = arith.addf %get3A_56, %concatenate3A : vector<2x256xf32>
        %swap3A_58 = arith.constant 0 : index
        %swap3A_59 = arith.constant 0 : index
        %swap3A_60 = vector.load %arg19[%swap3A_58, %swap3A_59] : memref<2x256xf32, #tpu.memory_space<vmem>>, vector<2x256xf32>
        tpu.vector_store %arg19[%swap3A_58, %swap3A_59], %add3A_57 {strides = array<i32>} : memref<2x256xf32, #tpu.memory_space<vmem>>, vector<2x256xf32>,
      } else {
      }
    } else {
    }
    %eq3A_3 = arith.constant 1 : i32
    %eq3A_4 = arith.cmpi eq, %arg0, %eq3A_3 : i32
    %convert_element_type3A_5 = arith.extui %eq3A_4 : i1 to i32
    %cond3A_6 = arith.constant 0 : i32
    %cond3A_7 = arith.cmpi ne, %convert_element_type3A_5, %cond3A_6 : i32
    scf.if %cond3A_7 {
      %get3A = arith.constant 0 : index
      %get3A_13 = arith.constant 0 : index
      %get3A_14 = vector.load %arg19[%get3A, %get3A_13] : memref<2x256xf32, #tpu.memory_space<vmem>>, vector<1x256xf32>
      %mul3A_15 = arith.constant 6.10351563E-5 : f32
      %mul3A_16 = vector.broadcast %mul3A_15 : f32 to vector<1x256xf32>
      %mul3A_17 = arith.mulf %get3A_14, %mul3A_16 : vector<1x256xf32>
      %get3A_18 = arith.constant 1 : index
      %get3A_19 = arith.constant 0 : index
      %get3A_20 = vector.load %arg19[%get3A_18, %get3A_19] : memref<2x256xf32, #tpu.memory_space<vmem>>, vector<1x256xf32>
      %mul3A_21 = arith.constant 6.10351563E-5 : f32
      %mul3A_22 = vector.broadcast %mul3A_21 : f32 to vector<1x256xf32>
      %mul3A_23 = arith.mulf %get3A_20, %mul3A_22 : vector<1x256xf32>
      %mul3A_24 = arith.mulf %mul3A_17, %mul3A_17 : vector<1x256xf32>
      %sub3A = arith.subf %mul3A_23, %mul3A_24 : vector<1x256xf32>
      %get3A_25 = arith.constant 0 : index
      %get3A_26 = arith.constant 0 : index
      %get3A_27 = vector.load %arg7[%get3A_25, %get3A_26] : memref<1x256xf32, #tpu.memory_space<vmem>>, vector<1x256xf32>
      %add3A = arith.constant 9.99999974E-6 : f32
      %add3A_28 = vector.broadcast %add3A : f32 to vector<1x256xf32>
      %add3A_29 = arith.addf %sub3A, %add3A_28 : vector<1x256xf32>
      %rsqrt3A = math.rsqrt %add3A_29 : vector<1x256xf32>
      %mul3A_30 = arith.mulf %get3A_27, %rsqrt3A : vector<1x256xf32>
      %get3A_31 = arith.constant 0 : index
      %get3A_32 = arith.constant 0 : index
      %get3A_33 = vector.load %arg8[%get3A_31, %get3A_32] : memref<1x256xf32, #tpu.memory_space<vmem>>, vector<1x256xf32>
      %mul3A_34 = arith.mulf %mul3A_30, %mul3A_17 : vector<1x256xf32>
      %sub3A_35 = arith.subf %get3A_33, %mul3A_34 : vector<1x256xf32>
      %get3A_36 = arith.index_cast %mul3A_0 : i32 to index
      %get3A_37 = arith.constant 0 : index
      %get3A_38 = vector.load %arg17[%get3A_36, %get3A_37] : memref<16384x256xf32, #tpu.memory_space<vmem>>, vector<4096x256xf32>
      %mul3A_39 = vector.broadcast %mul3A_30 : vector<1x256xf32> to vector<4096x256xf32>
      %mul3A_40 = arith.mulf %get3A_38, %mul3A_39 : vector<4096x256xf32>
      %add3A_41 = vector.broadcast %sub3A_35 : vector<1x256xf32> to vector<4096x256xf32>
      %add3A_42 = arith.addf %mul3A_40, %add3A_41 : vector<4096x256xf32>
      %convert_element_type3A_43 = arith.truncf %add3A_42 : vector<4096x256xf32> to vector<4096x256xbf16>
      %get3A_44 = arith.constant 0 : index
      %get3A_45 = arith.constant 0 : index
      %get3A_46 = vector.load %arg9[%get3A_44, %get3A_45] : memref<256x128xf32, #tpu.memory_space<vmem>>, vector<256x128xf32>
      %convert_element_type3A_47 = arith.truncf %get3A_46 : vector<256x128xf32> to vector<256x128xbf16>
      %dot_general3A = arith.constant dense<0.000000e+00> : vector<4096x128xf32>
      %dot_general3A_48 = tpu.matmul %convert_element_type3A_43, %convert_element_type3A_47, %dot_general3A {dimension_numbers = #tpu.dot_dimension_numbers<[1], [0], [0], [1], [0, 0, 1, 1], [], []>, transpose_lhs_hint = false} : vector<4096x256xbf16>, vector<256x128xbf16>, vector<4096x128xf32> -> vector<4096x128xf32>
      %get3A_49 = arith.constant 0 : index
      %get3A_50 = arith.constant 0 : index
      %get3A_51 = vector.load %arg10[%get3A_49, %get3A_50] : memref<1x128xf32, #tpu.memory_space<vmem>>, vector<1x128xf32>
      %add3A_52 = vector.broadcast %get3A_51 : vector<1x128xf32> to vector<4096x128xf32>
      %add3A_53 = arith.addf %dot_general3A_48, %add3A_52 : vector<4096x128xf32>
      %max3A = arith.constant 0.000000e+00 : f32
      %max3A_54 = vector.broadcast %max3A : f32 to vector<4096x128xf32>
      %max3A_55 = arith.maximumf %add3A_53, %max3A_54 : vector<4096x128xf32>
      %swap3A = arith.index_cast %mul3A_0 : i32 to index
      %swap3A_56 = arith.constant 0 : index
      %swap3A_57 = vector.load %arg18[%swap3A, %swap3A_56] : memref<16384x128xf32, #tpu.memory_space<vmem>>, vector<4096x128xf32>
      tpu.vector_store %arg18[%swap3A, %swap3A_56], %max3A_55 {strides = array<i32>} : memref<16384x128xf32, #tpu.memory_space<vmem>>, vector<4096x128xf32>,
      %reduce_sum3A = arith.constant dense<0.000000e+00> : vector<128xf32>
      %reduce_sum3A_58 = vector.multi_reduction <add>, %max3A_55, %reduce_sum3A [0] : vector<4096x128xf32> to vector<128xf32>
      %broadcast_in_dim3A = vector.shape_cast %reduce_sum3A_58 : vector<128xf32> to vector<1x128xf32>
      %mul3A_59 = arith.mulf %max3A_55, %max3A_55 : vector<4096x128xf32>
      %reduce_sum3A_60 = arith.constant dense<0.000000e+00> : vector<128xf32>
      %reduce_sum3A_61 = vector.multi_reduction <add>, %mul3A_59, %reduce_sum3A_60 [0] : vector<4096x128xf32> to vector<128xf32>
      %broadcast_in_dim3A_62 = vector.shape_cast %reduce_sum3A_61 : vector<128xf32> to vector<1x128xf32>
      %concatenate3A = tpu.concatenate %broadcast_in_dim3A, %broadcast_in_dim3A_62 in 0 : vector<1x128xf32>, vector<1x128xf32> -> vector<2x128xf32>
      %eq3A_63 = arith.constant 0 : i32
      %eq3A_64 = arith.cmpi eq, %arg1, %eq3A_63 : i32
      %convert_element_type3A_65 = arith.extui %eq3A_64 : i1 to i32
      %cond3A_66 = arith.constant 0 : i32
      %cond3A_67 = arith.cmpi ne, %convert_element_type3A_65, %cond3A_66 : i32
      scf.if %cond3A_67 {
        %swap3A_72 = arith.constant 0 : index
        %swap3A_73 = arith.constant 0 : index
        %swap3A_74 = vector.load %arg20[%swap3A_72, %swap3A_73] : memref<2x128xf32, #tpu.memory_space<vmem>>, vector<2x128xf32>
        tpu.vector_store %arg20[%swap3A_72, %swap3A_73], %concatenate3A {strides = array<i32>} : memref<2x128xf32, #tpu.memory_space<vmem>>, vector<2x128xf32>,
      } else {
      }
      %gt3A = arith.constant 0 : i32
      %gt3A_68 = arith.cmpi sgt, %arg1, %gt3A : i32
      %convert_element_type3A_69 = arith.extui %gt3A_68 : i1 to i32
      %cond3A_70 = arith.constant 0 : i32
      %cond3A_71 = arith.cmpi ne, %convert_element_type3A_69, %cond3A_70 : i32
      scf.if %cond3A_71 {
        %get3A_72 = arith.constant 0 : index
        %get3A_73 = arith.constant 0 : index
        %get3A_74 = vector.load %arg20[%get3A_72, %get3A_73] : memref<2x128xf32, #tpu.memory_space<vmem>>, vector<2x128xf32>
        %add3A_75 = arith.addf %get3A_74, %concatenate3A : vector<2x128xf32>
        %swap3A_76 = arith.constant 0 : index
        %swap3A_77 = arith.constant 0 : index
        %swap3A_78 = vector.load %arg20[%swap3A_76, %swap3A_77] : memref<2x128xf32, #tpu.memory_space<vmem>>, vector<2x128xf32>
        tpu.vector_store %arg20[%swap3A_76, %swap3A_77], %add3A_75 {strides = array<i32>} : memref<2x128xf32, #tpu.memory_space<vmem>>, vector<2x128xf32>,
      } else {
      }
    } else {
    }
    %eq3A_8 = arith.constant 2 : i32
    %eq3A_9 = arith.cmpi eq, %arg0, %eq3A_8 : i32
    %convert_element_type3A_10 = arith.extui %eq3A_9 : i1 to i32
    %cond3A_11 = arith.constant 0 : i32
    %cond3A_12 = arith.cmpi ne, %convert_element_type3A_10, %cond3A_11 : i32
    scf.if %cond3A_12 {
      %get3A = arith.constant 0 : index
      %get3A_13 = arith.constant 0 : index
      %get3A_14 = vector.load %arg20[%get3A, %get3A_13] : memref<2x128xf32, #tpu.memory_space<vmem>>, vector<1x128xf32>
      %mul3A_15 = arith.constant 6.10351563E-5 : f32
      %mul3A_16 = vector.broadcast %mul3A_15 : f32 to vector<1x128xf32>
      %mul3A_17 = arith.mulf %get3A_14, %mul3A_16 : vector<1x128xf32>
      %get3A_18 = arith.constant 1 : index
      %get3A_19 = arith.constant 0 : index
      %get3A_20 = vector.load %arg20[%get3A_18, %get3A_19] : memref<2x128xf32, #tpu.memory_space<vmem>>, vector<1x128xf32>
      %mul3A_21 = arith.constant 6.10351563E-5 : f32
      %mul3A_22 = vector.broadcast %mul3A_21 : f32 to vector<1x128xf32>
      %mul3A_23 = arith.mulf %get3A_20, %mul3A_22 : vector<1x128xf32>
      %mul3A_24 = arith.mulf %mul3A_17, %mul3A_17 : vector<1x128xf32>
      %sub3A = arith.subf %mul3A_23, %mul3A_24 : vector<1x128xf32>
      %get3A_25 = arith.constant 0 : index
      %get3A_26 = arith.constant 0 : index
      %get3A_27 = vector.load %arg11[%get3A_25, %get3A_26] : memref<1x128xf32, #tpu.memory_space<vmem>>, vector<1x128xf32>
      %add3A = arith.constant 9.99999974E-6 : f32
      %add3A_28 = vector.broadcast %add3A : f32 to vector<1x128xf32>
      %add3A_29 = arith.addf %sub3A, %add3A_28 : vector<1x128xf32>
      %rsqrt3A = math.rsqrt %add3A_29 : vector<1x128xf32>
      %mul3A_30 = arith.mulf %get3A_27, %rsqrt3A : vector<1x128xf32>
      %get3A_31 = arith.constant 0 : index
      %get3A_32 = arith.constant 0 : index
      %get3A_33 = vector.load %arg12[%get3A_31, %get3A_32] : memref<1x128xf32, #tpu.memory_space<vmem>>, vector<1x128xf32>
      %mul3A_34 = arith.mulf %mul3A_30, %mul3A_17 : vector<1x128xf32>
      %sub3A_35 = arith.subf %get3A_33, %mul3A_34 : vector<1x128xf32>
      %get3A_36 = arith.index_cast %mul3A_0 : i32 to index
      %get3A_37 = arith.constant 0 : index
      %get3A_38 = vector.load %arg18[%get3A_36, %get3A_37] : memref<16384x128xf32, #tpu.memory_space<vmem>>, vector<4096x128xf32>
      %mul3A_39 = vector.broadcast %mul3A_30 : vector<1x128xf32> to vector<4096x128xf32>
      %mul3A_40 = arith.mulf %get3A_38, %mul3A_39 : vector<4096x128xf32>
      %add3A_41 = vector.broadcast %sub3A_35 : vector<1x128xf32> to vector<4096x128xf32>
      %add3A_42 = arith.addf %mul3A_40, %add3A_41 : vector<4096x128xf32>
      %convert_element_type3A_43 = arith.truncf %add3A_42 : vector<4096x128xf32> to vector<4096x128xbf16>
      %get3A_44 = arith.constant 0 : index
      %get3A_45 = arith.constant 0 : index
      %get3A_46 = vector.load %arg13[%get3A_44, %get3A_45] : memref<128x64xf32, #tpu.memory_space<vmem>>, vector<128x64xf32>
      %convert_element_type3A_47 = arith.truncf %get3A_46 : vector<128x64xf32> to vector<128x64xbf16>
      %dot_general3A = arith.constant dense<0.000000e+00> : vector<4096x64xf32>
      %dot_general3A_48 = tpu.matmul %convert_element_type3A_43, %convert_element_type3A_47, %dot_general3A {dimension_numbers = #tpu.dot_dimension_numbers<[1], [0], [0], [1], [0, 0, 1, 1], [], []>, transpose_lhs_hint = false} : vector<4096x128xbf16>, vector<128x64xbf16>, vector<4096x64xf32> -> vector<4096x64xf32>
      %get3A_49 = arith.constant 0 : index
      %get3A_50 = arith.constant 0 : index
      %get3A_51 = vector.load %arg14[%get3A_49, %get3A_50] : memref<1x64xf32, #tpu.memory_space<vmem>>, vector<1x64xf32>
      %add3A_52 = vector.broadcast %get3A_51 : vector<1x64xf32> to vector<4096x64xf32>
      %add3A_53 = arith.addf %dot_general3A_48, %add3A_52 : vector<4096x64xf32>
      %max3A = arith.constant 0.000000e+00 : f32
      %max3A_54 = vector.broadcast %max3A : f32 to vector<4096x64xf32>
      %max3A_55 = arith.maximumf %add3A_53, %max3A_54 : vector<4096x64xf32>
      %swap3A = arith.constant 0 : index
      %swap3A_56 = arith.constant 0 : index
      %swap3A_57 = vector.load %arg15[%swap3A, %swap3A_56] : memref<4096x64xf32, #tpu.memory_space<vmem>>, vector<4096x64xf32>
      tpu.vector_store %arg15[%swap3A, %swap3A_56], %max3A_55 {strides = array<i32>} : memref<4096x64xf32, #tpu.memory_space<vmem>>, vector<4096x64xf32>,
      %reduce_sum3A = arith.constant dense<0.000000e+00> : vector<64xf32>
      %reduce_sum3A_58 = vector.multi_reduction <add>, %max3A_55, %reduce_sum3A [0] : vector<4096x64xf32> to vector<64xf32>
      %broadcast_in_dim3A = vector.shape_cast %reduce_sum3A_58 : vector<64xf32> to vector<1x64xf32>
      %mul3A_59 = arith.mulf %max3A_55, %max3A_55 : vector<4096x64xf32>
      %reduce_sum3A_60 = arith.constant dense<0.000000e+00> : vector<64xf32>
      %reduce_sum3A_61 = vector.multi_reduction <add>, %mul3A_59, %reduce_sum3A_60 [0] : vector<4096x64xf32> to vector<64xf32>
      %broadcast_in_dim3A_62 = vector.shape_cast %reduce_sum3A_61 : vector<64xf32> to vector<1x64xf32>
      %concatenate3A = tpu.concatenate %broadcast_in_dim3A, %broadcast_in_dim3A_62 in 0 : vector<1x64xf32>, vector<1x64xf32> -> vector<2x64xf32>
      %eq3A_63 = arith.constant 0 : i32
      %eq3A_64 = arith.cmpi eq, %arg1, %eq3A_63 : i32
      %convert_element_type3A_65 = arith.extui %eq3A_64 : i1 to i32
      %cond3A_66 = arith.constant 0 : i32
      %cond3A_67 = arith.cmpi ne, %convert_element_type3A_65, %cond3A_66 : i32
      scf.if %cond3A_67 {
        %swap3A_72 = arith.constant 0 : index
        %swap3A_73 = arith.constant 0 : index
        %swap3A_74 = vector.load %arg16[%swap3A_72, %swap3A_73] : memref<2x64xf32, #tpu.memory_space<vmem>>, vector<2x64xf32>
        tpu.vector_store %arg16[%swap3A_72, %swap3A_73], %concatenate3A {strides = array<i32>} : memref<2x64xf32, #tpu.memory_space<vmem>>, vector<2x64xf32>,
      } else {
      }
      %gt3A = arith.constant 0 : i32
      %gt3A_68 = arith.cmpi sgt, %arg1, %gt3A : i32
      %convert_element_type3A_69 = arith.extui %gt3A_68 : i1 to i32
      %cond3A_70 = arith.constant 0 : i32
      %cond3A_71 = arith.cmpi ne, %convert_element_type3A_69, %cond3A_70 : i32
      scf.if %cond3A_71 {
        %get3A_72 = arith.constant 0 : index
        %get3A_73 = arith.constant 0 : index
        %get3A_74 = vector.load %arg16[%get3A_72, %get3A_73] : memref<2x64xf32, #tpu.memory_space<vmem>>, vector<2x64xf32>
        %add3A_75 = arith.addf %get3A_74, %concatenate3A : vector<2x64xf32>
        %swap3A_76 = arith.constant 0 : index
        %swap3A_77 = arith.constant 0 : index
        %swap3A_78 = vector.load %arg16[%swap3A_76, %swap3A_77] : memref<2x64xf32, #tpu.memory_space<vmem>>, vector<2x64xf32>
        tpu.vector_store %arg16[%swap3A_76, %swap3A_77], %add3A_75 {strides = array<i32>} : memref<2x64xf32, #tpu.memory_space<vmem>>, vector<2x64xf32>,
      } else {
      }
    } else {
    }
    return
  }
  func.func @transform_0(%arg0: i32, %arg1: i32) -> (i32, i32) {
    %c0_i32 = arith.constant 0 : i32
    %c0_i32_0 = arith.constant 0 : i32
    return %arg1, %c0_i32 : i32, i32
  }
  func.func @transform_1(%arg0: i32, %arg1: i32) -> (i32, i32) {
    %c0_i32 = arith.constant 0 : i32
    %c0_i32_0 = arith.constant 0 : i32
    return %arg1, %c0_i32 : i32, i32
  }
  func.func @transform_2(%arg0: i32, %arg1: i32) -> (i32, i32) {
    %c0_i32 = arith.constant 0 : i32
    %c0_i32_0 = arith.constant 0 : i32
    %c0_i32_1 = arith.constant 0 : i32
    return %c0_i32, %c0_i32_0 : i32, i32
  }
  func.func @transform_3(%arg0: i32, %arg1: i32) -> (i32, i32) {
    %c0_i32 = arith.constant 0 : i32
    %c0_i32_0 = arith.constant 0 : i32
    %c0_i32_1 = arith.constant 0 : i32
    return %c0_i32, %c0_i32_0 : i32, i32
  }
  func.func @transform_4(%arg0: i32, %arg1: i32) -> (i32, i32) {
    %c0_i32 = arith.constant 0 : i32
    %c0_i32_0 = arith.constant 0 : i32
    %c0_i32_1 = arith.constant 0 : i32
    return %c0_i32, %c0_i32_0 : i32, i32
  }
  func.func @transform_5(%arg0: i32, %arg1: i32) -> (i32, i32) {
    %c0_i32 = arith.constant 0 : i32
    %c0_i32_0 = arith.constant 0 : i32
    %c0_i32_1 = arith.constant 0 : i32
    return %c0_i32, %c0_i32_0 : i32, i32
  }
  func.func @transform_6(%arg0: i32, %arg1: i32) -> (i32, i32) {
    %c0_i32 = arith.constant 0 : i32
    %c0_i32_0 = arith.constant 0 : i32
    %c0_i32_1 = arith.constant 0 : i32
    return %c0_i32, %c0_i32_0 : i32, i32
  }
  func.func @transform_7(%arg0: i32, %arg1: i32) -> (i32, i32) {
    %c0_i32 = arith.constant 0 : i32
    %c0_i32_0 = arith.constant 0 : i32
    %c0_i32_1 = arith.constant 0 : i32
    return %c0_i32, %c0_i32_0 : i32, i32
  }
  func.func @transform_8(%arg0: i32, %arg1: i32) -> (i32, i32) {
    %c0_i32 = arith.constant 0 : i32
    %c0_i32_0 = arith.constant 0 : i32
    %c0_i32_1 = arith.constant 0 : i32
    return %c0_i32, %c0_i32_0 : i32, i32
  }
  func.func @transform_9(%arg0: i32, %arg1: i32) -> (i32, i32) {
    %c0_i32 = arith.constant 0 : i32
    %c0_i32_0 = arith.constant 0 : i32
    %c0_i32_1 = arith.constant 0 : i32
    return %c0_i32, %c0_i32_0 : i32, i32
  }
  func.func @transform_10(%arg0: i32, %arg1: i32) -> (i32, i32) {
    %c0_i32 = arith.constant 0 : i32
    %c0_i32_0 = arith.constant 0 : i32
    %c0_i32_1 = arith.constant 0 : i32
    return %c0_i32, %c0_i32_0 : i32, i32
  }
  func.func @transform_11(%arg0: i32, %arg1: i32) -> (i32, i32) {
    %c0_i32 = arith.constant 0 : i32
    %c0_i32_0 = arith.constant 0 : i32
    %c0_i32_1 = arith.constant 0 : i32
    return %c0_i32, %c0_i32_0 : i32, i32
  }
  func.func @transform_12(%arg0: i32, %arg1: i32) -> (i32, i32) {
    %c0_i32 = arith.constant 0 : i32
    %c0_i32_0 = arith.constant 0 : i32
    %c0_i32_1 = arith.constant 0 : i32
    return %c0_i32, %c0_i32_0 : i32, i32
  }
  func.func @transform_13(%arg0: i32, %arg1: i32) -> (i32, i32) {
    %eq3A = arith.constant 2 : i32
    %eq3A_0 = arith.cmpi eq, %arg0, %eq3A : i32
    %jit3A = arith.constant 0 : i32
    %select_n3A = arith.select %eq3A_0, %arg1, %jit3A : i32
    %c0_i32 = arith.constant 0 : i32
    %c0_i32_1 = arith.constant 0 : i32
    return %select_n3A, %c0_i32 : i32, i32
  }
  func.func @transform_14(%arg0: i32, %arg1: i32) -> (i32, i32) {
    %c0_i32 = arith.constant 0 : i32
    %c0_i32_0 = arith.constant 0 : i32
    %c0_i32_1 = arith.constant 0 : i32
    return %c0_i32, %c0_i32_0 : i32, i32
  }
}

</mosaic_0001>

<sc_bundles>
// kernel: kernel.4.cloned.1.call-start
scs
__scs_entry_jumppad:
0x0: {  	(pc) =	sbr.rel $0x88, $3  }
0x1: {  	(tag) =	ssettag $0x0;
	lr =	simm.s32 $0x1  }
0x2: {  	[smem:$0x3F93] =	sst lr;
	_ =	strace $0xD0000000  }
0x3: {  	_ = 	snop  }
0x4: {  	_ = 	snop  }
0x5: {  	_ = 	snop  }
0x6: {  	_ = 	snop  }
0x7: {  	_ = 	snop  }
__scs_overlays_trampoline_lowered:
0x8: {  	[smem:$0x3FA2] =	sst s0  }
0x9: {  	[smem:$0x3FA3] =	sst s1  }
0xa: {  	[smem:$0x3FA4] =	sst s2  }
0xb: {  	[smem:$0x3FA5] =	sst s3  }
0xc: {  	[smem:$0x3FA6] =	sst s4  }
0xd: {  	[smem:$0x3FA7] =	sst s5  }
0xe: {  	[smem:$0x3FA8] =	sst s6  }
0xf: {  	[smem:$0x3FA9] =	sst s7  }
0x10: {  	[smem:$0x3FAA] =	sst s8  }
0x11: {  	[smem:$0x3FAB] =	sst s9;
	s0 =	simm.s32 @!p0 $0x0  }
0x12: {  	s1 =	sld [smem:$0x3F91];
	s0 =	simm.s32 @p0 $0x1  }
0x13: {  	[smem:$0x3FAC] =	sst s0;
	s0 =	simm.s32 @!p1 $0x0  }
0x14: {  	s2 =	sld [smem:$0x3F90];
	s0 =	simm.s32 @p1 $0x1  }
0x15: {  	[smem:$0x3FAD] =	sst s0;
	s0 =	simm.s32 @!p2 $0x0  }
0x16: {  	s3 =	sld [smem:$0x3FDB];
	s0 =	simm.s32 @p2 $0x1  }
0x17: {  	s4 =	simm.s32 $0x1BF5;
	[smem:$0x3FAF] =	sst s0  }
0x18: {  	s0 =	sld [smem:$0x3F92];
	_ =	swait.ge [sflag:s4], $0x0  }
0x19: {  	s7 =	sld [smem:$0x3F93]  }
0x1a: {  	s8 =	sadd.s32 $0xFFFFE003, lr  }
0x1b: {  	s9 =	sadd.s32 $0xFFFFFEF7, lr;
	s5 =	simm.s32 $0xFFFFFFFF;
	p2 =	slt.u32 s8, $0xFFFFF086  }
0x1c: {  	p1 =	slt.u32 s9, $0xF7A;
	s5 =	simm.s32 @!p2 $0x0  }
0x1d: {  	s5 =	simm.s32 @p1 $0x1;
	p0 =	seq.s32 s7, s2  }
0x1e: {  	s7 =	smul.u32 @!p0 $0xF7A, s2;
	p2 =	seq.s32 @!p0 s5, $0x0  }
0x1f: {  	s9 =	smul.u32 $0xF7A, s1;
	s8 =	simm.s32 @!p0 $0x1BF5;
	p2 =	por !p2, p0  }
0x20: {  	[sflag:s8] =	ssyncset.s32 @!p0 $0xFFFFF086;
	s6 =	sadd.s32 @!p0 s3, s7;
	s7 =	simm.s32 @!p0 $0x108  }
0x21: {  	s3 =	sadd.s32 s3, s9;
	s6 =	sadd.s32 @!p0 $0x88, s6;
	s7 =	simm.s32 @p2 $0x1082  }
0x22: {  	[simem:s7], [sflag:s8] =	dma.local @!p0 [hbm:s6], $0xF7A  }
0x23: {  	s9 =	sor.u32 $0xD0000000, s2;
	s6 =	simm.s32 $0x108;
	_ =	swait.ge @!p0 [sflag:s8], $0x0  }
0x24: {  	s3 =	sadd.s32 $0x88, s3;
	s6 =	simm.s32 @!p1 $0x1082;
	[sflag:s4] =	ssyncset.s32 $0xFFFFF086  }
0x25: {  	[simem:s6], [sflag:s4] =	dma.local [hbm:s3], $0xF7A  }
0x26: {  	[smem:$0x3F93] =	sst s1;
	(tag) =	ssettag s2;
	_ =	strace s9  }
0x27: {  	s1 =	sld [smem:$0x3FA3]  }
0x28: {  	s2 =	sld [smem:$0x3FA4]  }
0x29: {  	s4 =	sld [smem:$0x3FA6]  }
0x2a: {  	p0 =	seq.s32 s5, $0x0;
	s5 =	sld [smem:$0x3FA7]  }
0x2b: {  	s6 =	sld [smem:$0x3FA8]  }
0x2c: {  	s7 =	sld [smem:$0x3FA9]  }
0x2d: {  	s3 =	simm.s32 $0x108;
	s8 =	sld [smem:$0x3FAA]  }
0x2e: {  	s3 =	simm.s32 @!p0 $0x1082;
	s9 =	sld [smem:$0x3FAB]  }
0x2f: {  	lr =	sadd.s32 s0, s3;
	s0 =	sld [smem:$0x3FA2]  }
0x30: {  	s3 =	sld [smem:$0x3FA5]  }
0x31: {  	[smem:$0x3FAE] =	sst s10  }
0x32: {  	s10 =	sld [smem:$0x3FAC];
	_ =	sdelay $0x3  }
0x33: {  	p0 =	seq.s32 s10, $0x1;
	s10 =	sld [smem:$0x3FAE];
	_ =	sdelay $0x3  }
0x34: {  	[smem:$0x3FAE] =	sst s10  }
0x35: {  	s10 =	sld [smem:$0x3FAD];
	_ =	sdelay $0x3  }
0x36: {  	p1 =	seq.s32 s10, $0x1;
	s10 =	sld [smem:$0x3FAE];
	_ =	sdelay $0x3  }
0x37: {  	[smem:$0x3FAE] =	sst s10  }
0x38: {  	s10 =	sld [smem:$0x3FAF]  }
0x39: {  	_ = 	snop;
	(pc) =	sbr.ind lr, $3  }
0x3a: {  	_ = 	snop  }
0x3b: {  	_ = 	snop  }
0x3c: {  	p2 =	seq.s32 s10, $0x1;
	s10 =	sld [smem:$0x3FAE]  }
0x3d: {  	_ =	shalt  }
0x3e: {  	_ =	shalt  }
0x3f: {  	_ =	shalt  }
0x40: {  	_ =	shalt  }
0x41: {  	_ =	shalt  }
0x42: {  	_ =	shalt  }
0x43: {  	_ =	shalt  }
0x44: {  	_ =	shalt  }
0x45: {  	_ =	shalt  }
0x46: {  	_ =	shalt  }
0x47: {  	_ =	shalt  }
0x48: {  	_ =	shalt  }
0x49: {  	_ =	shalt  }
0x4a: {  	_ =	shalt  }
0x4b: {  	_ =	shalt  }
0x4c: {  	_ =	shalt  }
0x4d: {  	_ =	shalt  }
0x4e: {  	_ =	shalt  }
0x4f: {  	_ =	shalt  }
0x50: {  	_ =	shalt  }
0x51: {  	_ =	shalt  }
0x52: {  	_ =	shalt  }
0x53: {  	_ =	shalt  }
0x54: {  	_ =	shalt  }
0x55: {  	_ =	shalt  }
0x56: {  	_ =	shalt  }
0x57: {  	_ =	shalt  }
0x58: {  	_ =	shalt  }
0x59: {  	_ =	shalt  }
0x5a: {  	_ =	shalt  }
0x5b: {  	_ =	shalt  }
0x5c: {  	_ =	shalt  }
0x5d: {  	_ =	shalt  }
0x5e: {  	_ =	shalt  }
0x5f: {  	_ =	shalt  }
0x60: {  	_ =	shalt  }
0x61: {  	_ =	shalt  }
0x62: {  	_ =	shalt  }
0x63: {  	_ =	shalt  }
0x64: {  	_ =	shalt  }
0x65: {  	_ =	shalt  }
0x66: {  	_ =	shalt  }
0x67: {  	_ =	shalt  }
0x68: {  	_ =	shalt  }
0x69: {  	_ =	shalt  }
0x6a: {  	_ =	shalt  }
0x6b: {  	_ =	shalt  }
0x6c: {  	_ =	shalt  }
0x6d: {  	_ =	shalt  }
0x6e: {  	_ =	shalt  }
0x6f: {  	_ =	shalt  }
0x70: {  	_ =	shalt  }
0x71: {  	_ =	shalt  }
0x72: {  	_ =	shalt  }
0x73: {  	_ =	shalt  }
0x74: {  	_ =	shalt  }
0x75: {  	_ =	shalt  }
0x76: {  	_ =	shalt  }
0x77: {  	_ =	shalt  }
0x78: {  	_ =	shalt  }
0x79: {  	_ =	shalt  }
0x7a: {  	_ =	shalt  }
0x7b: {  	_ =	shalt  }
0x7c: {  	_ =	shalt  }
0x7d: {  	_ =	shalt  }
0x7e: {  	_ =	shalt  }
0x7f: {  	_ =	shalt  }
0x80: {  	_ =	shalt  }
0x81: {  	_ =	shalt  }
0x82: {  	_ =	shalt  }
0x83: {  	_ =	shalt  }
0x84: {  	_ =	shalt  }
0x85: {  	_ =	shalt  }
0x86: {  	_ =	shalt  }
0x87: {  	_ =	shalt  }
.Lfunc_end0:
.L_simem_size_0:
called_computation_lowered:
.L_overlay_start_0:
0x88: {  	s2 =	sld [smem:$0x3FD9]  }
0x89: {  	s3 =	sld [smem:$0x3FFE];
	_ =	sdelay $0x1  }
0x8a: {  	s1 =	srdreg.scid  }
0x8b: {  	s0 =	sand.u32 $0x1, s1  }
0x8c: {  	s15 =	sshll.u32 s0, $0xA;
	s2 =	sadd.s32 s3, s2  }
0x8d: {  	s2 =	sadd.s32 s2, s15  }
0x8e: {  	[smem:$0x3FBA] =	sst s2  }
0x8f: {  	_ = 	snop  }
0x90: {  	s2 =	sld [smem:$0x3FC9]  }
0x91: {  	s16 =	sld [smem:$0x3FD0]  }
0x92: {  	s4 =	sld [smem:$0x3FC8]  }
0x93: {  	s5 =	sld [smem:$0x3FC7]  }
0x94: {  	s7 =	simm.s32 $0xA;
	s8 =	simm.s32 $0x10;
	s6 =	sld [smem:$0x3FC6]  }
0x95: {  	[smem:s8], [sflag:s7] =	dma.local [hbm:s16], $0x1  }
0x96: {  	_ =	swait.eq [sflag:s7], $0x1  }
0x97: {  	[sflag:s7] =	ssyncset.done $0x0  }
0x98: {  	s17 =	sld [smem:$0x12];
	[sflag:s7] =	ssyncadd.s32 $0xFFFFFFFF  }
0x99: {  	s18 =	sld [smem:$0x13];
	(tm) =	ssettm $0x1  }
0x9a: {  	s19 =	sld [smem:$0x3FFB];
	_ =	sdelay $0x3  }
0x9b: {  	_ =	strace s19  }
0x9c: {  	s8 =	sld [smem:$0x3FFC];
	_ =	sdelay $0x3  }
0x9d: {  	_ =	strace s8  }
0x9e: {  	s8 =	sld [smem:$0x3FFD];
	_ =	sdelay $0x3  }
0x9f: {  	_ =	strace s8  }
0xa0: {  	_ =	strace $0x8FFFFFFF  }
0xa1: {  	s20 =	sld [smem:$0x3FDB];
	_ =	sdelay $0x1  }
0xa2: {  	s9 =	simm.s32 $_scs_section_size  }
0xa3: {  	s10 =	simm.s32 $_size__tile_overlayer_lowered;
	s11 =	simm.s32 $_tile_overlayer_lowered  }
0xa4: {  	s23 =	simm.s32 $0x1BFF;
	s22 =	sshll.u32 s11, $0x1;
	s8 =	sadd.s32 s9, s20  }
0xa5: {  	s12 =	simm.s32 $0x0;
	s21 =	sshll.u32 s10, $0x1;
	s10 =	sadd.s32 s22, s8  }
0xa6: {  	[timem:s12], [sflag:s23] =	dma.local [hbm:s10], s21  }
0xa7: {  	_ =	swait.ge [sflag:s23], s21  }
0xa8: {  	s9 =	ssub.s32 $0x0, s21;
	[sflag:s23] =	ssyncset.done $0x0  }
0xa9: {  	[sflag:s23] =	ssyncadd.s32 s9;
	_ =	sdelay $0x1  }
0xaa: {  	s24 =	simm.s32 $0x1B8B  }
0xab: {  	_ =	swait.ge [sflag:s24], $0x1  }
0xac: {  	[sflag:s24] =	ssyncset.done $0x0  }
0xad: {  	s25 =	simm.s32 $0x1B8E;
	[sflag:s24] =	ssyncadd.s32 $0xFFFFFFFF  }
0xae: {  	s26 =	simm.s32 $execute0_lowered;
	[smem:$0x3FD2] =	sst s25  }
0xaf: {  	s9 =	sshll.u32 s26, $0x1;
	_ =	strace $0x80000046;
	[dreg:$0x1] =	wrdreg $0xFFFFFFFF  }
0xb0: {  	s28 =	simm.s32 $_size_execute0_lowered;
	s8 =	sadd.s32 s8, s9;
	[dreg:$0x0] =	wrdreg $0x0  }
0xb1: {  	s9 =	sshll.u32 s28, $0x1;
	[dreg:$0x2] =	wrdreg s8  }
0xb2: {  	[dreg:$0x3] =	wrdreg s9  }
0xb3: {  	[dreg:$0x4] =	wrdreg $0xC0  }
0xb4: {  	_ =	task [dreg:s12], $0x5FFFF  }
0xb5: {  	[dreg:$0x1] =	wrdreg $0xFFFFFFFF  }
0xb6: {  	[dreg:$0x0] =	wrdreg $0x60  }
0xb7: {  	[dreg:$0x2] =	wrdreg s2  }
0xb8: {  	[dreg:$0x3] =	wrdreg s4  }
0xb9: {  	[dreg:$0x4] =	wrdreg s5  }
0xba: {  	[dreg:$0x5] =	wrdreg s6  }
0xbb: {  	[dreg:$0x6] =	wrdreg s17  }
0xbc: {  	[dreg:$0x7] =	wrdreg s18  }
0xbd: {  	[dreg:$0x8] =	wrdreg $0x9  }
0xbe: {  	_ =	task.clear_ibuf [dreg:s12], $0x9FFFF;
	_ =	strace $0x90000046  }
0xbf: {  	s29 =	simm.s32 $0x9;
	_ =	strace $0x80000048  }
0xc0: {  	_ =	swait.ge [sflag:s29], $0x1  }
0xc1: {  	[sflag:s29] =	ssyncadd.s32 $0xFFFFFFFF  }
0xc2: {  	_ =	strace $0x90000048  }
0xc3: {  	_ =	sfence  }
0xc4: {  	s30 =	sld [smem:$0x0];
	_ =	sdelay $0x2  }
0xc5: {  	s31 =	sshll.u32 s1, $0xD;
	s1 =	sshrl.u32 s1, $0x2  }
0xc6: {  	s3 =	sand.u32 $0x4000, s31;
	s1 =	sadd.s32 s1, s30  }
0xc7: {  	s0 =	sor.u32 s3, s0;
	s1 =	sshll.u32 s1, $0x11  }
0xc8: {  	s0 =	sor.u32 s1, s0  }
0xc9: {  	s0 =	sadd.s32 $0x8F2B, s0  }
0xca: {  	[sflag:s0] =	ssyncadd.remote.s32 $0x1  }
0xcb: {  	_ =	sfence.sel $0xFFFF  }
0xcc: {  	[dreg:$0x0] =	wrdreg $0xFFFFFFFF;
	(pc) =	sbr.abs _section_cstart, $3  }
0xcd: {  	[dreg:$0x1] =	wrdreg $0xFFFFFFFF  }
0xce: {  	_ =	task.clear_ibuf [dreg:s12], $0x2FFFF;
	_ =	strace $0x9FFFFFFF  }
0xcf: {  	(tm) =	ssettm $0x7FFFFFFF  }
tec
execute0_lowered:
.L_overlay_start_1:
0x0: {  	(tag) =	ssettag $0x1  }
0x1: {  	s0 =	rddreg [dreg:$0x0]  }
0x2: {  	s1 =	rddreg [dreg:$0x1]  }
0x3: {  	s3 =	rddreg [dreg:$0x2];
	s2 =	srdreg.scid  }
0x4: {  	s4 =	rddreg [dreg:$0x3];
	s16 =	stileid.u32;
	s6 =	sand.u32 $0x1, s2  }
0x5: {  	s5 =	rddreg [dreg:$0x4];
	s8 =	sshll.u32 s16, $0xA;
	s9 =	sshll.u32 s6, $0x9  }
0x6: {  	s7 =	rddreg [dreg:$0x5];
	s2 =	simm.s32 $0x0;
	s8 =	sor.u32 s9, s8  }
0x7: {  	s28 =	simm.s32 $0x3;
	[smem:$0x7FF] =	sst s2;
	s9 =	sshrl.u32 s8, $0x3  }
0x8: {  	s30 =	simm.s32 $0x80;
	_ =	strace $0x80000047;
	s0 =	sadd.s32 s0, s9  }
0x9: {  	s18 =	sadd.s32 s1, s9;
	s1 =	sshll.u32 s8, $0x4;
	[dreg:$0x7] =	wrdreg s0  }
0xa: {  	s31 =	simm.s32 $0x280;
	[dreg:$0x8] =	wrdreg s18;
	s19 =	sadd.s32 s5, s1  }
0xb: {  	s29 =	simm.s32 $0x2C0;
	s20 =	sadd.s32 s7, s1;
	[dreg:$0x9] =	wrdreg s19  }
0xc: {  	p0 =	por $0x0, $0x0;
	s8 =	sor.u32 $0x400, s1;
	[dreg:$0xa] =	wrdreg s20  }
0xd: {  	s6 =	ssub.s32 $0x2, s6;
	s21 =	sadd.s32 s5, s8;
	s0 =	rddreg [dreg:$0x7]  }
0xe: {  	s23 =	sor.u32 $0x800, s1;
	s22 =	sadd.s32 s7, s8;
	[dreg:$0xb] =	wrdreg s21  }
0xf: {  	s26 =	sor.u32 $0xC00, s1;
	s24 =	sadd.s32 s5, s23;
	[dreg:$0xc] =	wrdreg s22  }
0x10: {  	s11 =	sor.u32 $0x1000, s1;
	s25 =	sadd.s32 s7, s23;
	[dreg:$0xd] =	wrdreg s24  }
0x11: {  	s14 =	sor.u32 $0x1400, s1;
	s9 =	sadd.s32 s5, s26;
	[dreg:$0xe] =	wrdreg s25  }
0x12: {  	s18 =	sor.u32 $0x1800, s1;
	s10 =	sadd.s32 s7, s26;
	[dreg:$0xf] =	wrdreg s9  }
0x13: {  	s1 =	sor.u32 $0x1C00, s1;
	s12 =	sadd.s32 s5, s11;
	[dreg:$0x10] =	wrdreg s10  }
0x14: {  	s13 =	sadd.s32 s7, s11;
	s15 =	sadd.s32 s5, s14;
	[dreg:$0x11] =	wrdreg s12  }
0x15: {  	s17 =	sadd.s32 s7, s14;
	s19 =	sadd.s32 s5, s18;
	[dreg:$0x12] =	wrdreg s13  }
0x16: {  	s20 =	sadd.s32 s7, s18;
	s26 =	simm.s32 $0x200;
	[dreg:$0x13] =	wrdreg s15  }
0x17: {  	s14 =	simm.s32 $0x400;
	s11 =	simm.s32 $0x2400;
	[dreg:$0x14] =	wrdreg s17  }
0x18: {  	s8 =	simm.s32 $0xE400;
	s18 =	simm.s32 $0x3C0;
	[dreg:$0x15] =	wrdreg s19  }
0x19: {  	s21 =	sshrl.u32 s6, $0x1;
	[dreg:$0x16] =	wrdreg s20;
	s22 =	sadd.s32 s5, s1  }
0x1a: {  	s24 =	sadd.s32 s7, s1;
	s13 =	simm.s32 $0x40;
	s23 =	ssub.s32 s6, s21  }
0x1b: {  	s15 =	simm.s32 $0x8400;
	s1 =	simm.s32 $0x240;
	s25 =	smax.u32 s23, $0x1  }
0x1c: {  	s12 =	simm.s32 $0xA400;
	s9 =	simm.s32 $0x4400;
	p1 =	sne.s32 s25, $0x1  }
.Ltmp0:
0x1d: {  	s10 =	simm.s32 $0xC400;
	s7 =	simm.s32 $0x6400;
	(pc) =	sbr.rel @!p1 .LBB2_1-.Ltmp0, $4  }
0x1e: {  	s5 =	simm.s32 $0x2;
	s19 =	simm.s32 $0x180;
	[dreg:$0x17] =	wrdreg s22  }
0x1f: {  	s20 =	simm.s32 $0x380;
	s17 =	simm.s32 $0x1C0;
	[dreg:$0x18] =	wrdreg s24  }
0x20: {  	s6 =	simm.s32 $0x1;
	s24 =	simm.s32 $0x300;
	s21 =	simm.s32 $0x140  }
0x21: {  	s22 =	simm.s32 $0x340;
	s23 =	simm.s32 $0x100;
	s25 =	sadd.s32 $0xFFFFFFFF, s25  }
0x22: {  	[tilespmem:s2], [sflag:$0x3] =	stream.linear.gather [hbm4b:s0+s2], $0x200, $0x38;
	[tilespmem:$0x10400] =	vst v63  }
0x23: {  	_ =	swait.ge [sflag:s28], $0x200  }
0x24: {  	[sflag:s28] =	ssyncset.done $0x0  }
0x25: {  	s16 =	rddreg [dreg:$0x8];
	[sflag:s28] =	ssyncadd.s32 $0xFFFFFE00  }
0x26: {  	[tilespmem:s26], [sflag:$0x3] =	stream.linear.gather [hbm4b:s16+s2], $0x200, $0x38;
	[tilespmem:$0x10400] =	vst v63  }
0x27: {  	_ =	swait.ge [sflag:s28], $0x200  }
0x28: {  	[sflag:s28] =	ssyncset.done $0x0  }
0x29: {  	[sflag:s28] =	ssyncadd.s32 $0xFFFFFE00  }
0x2a: {  	[tilespmem:s14], [sflag:$0x1] =	stream.indirect.gather [hbm4b:s3+s13], $0x80, s2, s13, $0xb8;
	[tilespmem:$0x10400] =	vst v63  }
0x2b: {  	_ = 	snop  }
0x2c: {  	[tilespmem:s15], [sflag:$0x1] =	stream.indirect.gather [hbm4b:s4+s13], $0x80, s26, s13, $0xb8;
	[tilespmem:$0x10400] =	vst v63  }
0x2d: {  	_ = 	snop  }
0x2e: {  	[tilespmem:s11], [sflag:$0x1] =	stream.indirect.gather [hbm4b:s3+s13], $0x80, s13, s13, $0xb8;
	[tilespmem:$0x10400] =	vst v63  }
0x2f: {  	_ = 	snop  }
0x30: {  	[tilespmem:s12], [sflag:$0x1] =	stream.indirect.gather [hbm4b:s4+s13], $0x80, s1, s13, $0xb8;
	[tilespmem:$0x10400] =	vst v63  }
0x31: {  	_ = 	snop  }
0x32: {  	[tilespmem:s9], [sflag:$0x1] =	stream.indirect.gather [hbm4b:s3+s13], $0x80, s30, s13, $0xb8;
	[tilespmem:$0x10400] =	vst v63  }
0x33: {  	_ = 	snop  }
0x34: {  	[tilespmem:s10], [sflag:$0x1] =	stream.indirect.gather [hbm4b:s4+s13], $0x80, s31, s13, $0xb8;
	[tilespmem:$0x10400] =	vst v63  }
0x35: {  	_ =	swait.ge [sflag:s6], $0x2000  }
0x36: {  	[sflag:s6] =	ssyncset.done $0x0  }
0x37: {  	[sflag:s6] =	ssyncadd.s32 $0xFFFFE000  }
0x38: {  	_ =	swait.ge [sflag:s6], $0x2000  }
0x39: {  	[sflag:s6] =	ssyncset.done $0x0  }
0x3a: {  	s0 =	rddreg [dreg:$0x9];
	[sflag:s6] =	ssyncadd.s32 $0xFFFFE000  }
0x3b: {  	[hbm4b:s0+s2] =	stream.linear.scatter [tilespmem:s14], [sflag:$0x2], $0x2000, $0x38;
	[tilespmem:$0x10400] =	vst v63  }
0x3c: {  	s1 =	rddreg [dreg:$0xa]  }
0x3d: {  	[hbm4b:s1+s2] =	stream.linear.scatter [tilespmem:s15], [sflag:$0x2], $0x2000, $0x38;
	[tilespmem:$0x10400] =	vst v63  }
0x3e: {  	s1 =	simm.s32 $0xC0  }
0x3f: {  	[tilespmem:s7], [sflag:$0x1] =	stream.indirect.gather [hbm4b:s3+s13], $0x80, s1, s13, $0xb8;
	[tilespmem:$0x10400] =	vst v63  }
0x40: {  	_ = 	snop  }
0x41: {  	[tilespmem:s8], [sflag:$0x1] =	stream.indirect.gather [hbm4b:s4+s13], $0x80, s29, s13, $0xb8;
	[tilespmem:$0x10400] =	vst v63  }
0x42: {  	_ =	swait.ge [sflag:s6], $0x2000  }
0x43: {  	[sflag:s6] =	ssyncset.done $0x0  }
0x44: {  	[sflag:s6] =	ssyncadd.s32 $0xFFFFE000  }
0x45: {  	_ =	swait.ge [sflag:s6], $0x2000  }
0x46: {  	[sflag:s6] =	ssyncset.done $0x0  }
0x47: {  	s0 =	rddreg [dreg:$0xb];
	[sflag:s6] =	ssyncadd.s32 $0xFFFFE000  }
0x48: {  	[hbm4b:s0+s2] =	stream.linear.scatter [tilespmem:s11], [sflag:$0x2], $0x2000, $0x38;
	[tilespmem:$0x10400] =	vst v63  }
0x49: {  	s1 =	rddreg [dreg:$0xc]  }
0x4a: {  	[hbm4b:s1+s2] =	stream.linear.scatter [tilespmem:s12], [sflag:$0x2], $0x2000, $0x38;
	[tilespmem:$0x10400] =	vst v63  }
0x4b: {  	_ =	swait.ge [sflag:s5], $0x2000  }
0x4c: {  	[sflag:s5] =	ssyncset.done $0x0  }
0x4d: {  	[sflag:s5] =	ssyncadd.s32 $0xFFFFE000  }
0x4e: {  	_ =	swait.ge [sflag:s5], $0x2000  }
0x4f: {  	[sflag:s5] =	ssyncset.done $0x0  }
0x50: {  	[sflag:s5] =	ssyncadd.s32 $0xFFFFE000  }
0x51: {  	[tilespmem:s14], [sflag:$0x1] =	stream.indirect.gather [hbm4b:s3+s13], $0x80, s23, s13, $0xb8;
	[tilespmem:$0x10400] =	vst v63  }
0x52: {  	_ = 	snop  }
0x53: {  	[tilespmem:s15], [sflag:$0x1] =	stream.indirect.gather [hbm4b:s4+s13], $0x80, s24, s13, $0xb8;
	[tilespmem:$0x10400] =	vst v63  }
0x54: {  	_ =	swait.ge [sflag:s6], $0x2000  }
0x55: {  	[sflag:s6] =	ssyncset.done $0x0  }
0x56: {  	[sflag:s6] =	ssyncadd.s32 $0xFFFFE000  }
0x57: {  	_ =	swait.ge [sflag:s6], $0x2000  }
0x58: {  	[sflag:s6] =	ssyncset.done $0x0  }
0x59: {  	s0 =	rddreg [dreg:$0xd];
	[sflag:s6] =	ssyncadd.s32 $0xFFFFE000  }
0x5a: {  	[hbm4b:s0+s2] =	stream.linear.scatter [tilespmem:s9], [sflag:$0x2], $0x2000, $0x38;
	[tilespmem:$0x10400] =	vst v63  }
0x5b: {  	s1 =	rddreg [dreg:$0xe]  }
0x5c: {  	[hbm4b:s1+s2] =	stream.linear.scatter [tilespmem:s10], [sflag:$0x2], $0x2000, $0x38;
	[tilespmem:$0x10400] =	vst v63  }
0x5d: {  	_ =	swait.ge [sflag:s5], $0x2000  }
0x5e: {  	[sflag:s5] =	ssyncset.done $0x0  }
0x5f: {  	[sflag:s5] =	ssyncadd.s32 $0xFFFFE000  }
0x60: {  	_ =	swait.ge [sflag:s5], $0x2000  }
0x61: {  	[sflag:s5] =	ssyncset.done $0x0  }
0x62: {  	[sflag:s5] =	ssyncadd.s32 $0xFFFFE000  }
0x63: {  	[tilespmem:s11], [sflag:$0x1] =	stream.indirect.gather [hbm4b:s3+s13], $0x80, s21, s13, $0xb8;
	[tilespmem:$0x10400] =	vst v63  }
0x64: {  	_ = 	snop  }
0x65: {  	[tilespmem:s12], [sflag:$0x1] =	stream.indirect.gather [hbm4b:s4+s13], $0x80, s22, s13, $0xb8;
	[tilespmem:$0x10400] =	vst v63  }
0x66: {  	_ =	swait.ge [sflag:s6], $0x2000  }
0x67: {  	[sflag:s6] =	ssyncset.done $0x0  }
0x68: {  	[sflag:s6] =	ssyncadd.s32 $0xFFFFE000  }
0x69: {  	_ =	swait.ge [sflag:s6], $0x2000  }
0x6a: {  	[sflag:s6] =	ssyncset.done $0x0  }
0x6b: {  	s0 =	rddreg [dreg:$0xf];
	[sflag:s6] =	ssyncadd.s32 $0xFFFFE000  }
0x6c: {  	[hbm4b:s0+s2] =	stream.linear.scatter [tilespmem:s7], [sflag:$0x2], $0x2000, $0x38;
	[tilespmem:$0x10400] =	vst v63  }
0x6d: {  	s1 =	rddreg [dreg:$0x10]  }
0x6e: {  	[hbm4b:s1+s2] =	stream.linear.scatter [tilespmem:s8], [sflag:$0x2], $0x2000, $0x38;
	[tilespmem:$0x10400] =	vst v63  }
0x6f: {  	_ =	swait.ge [sflag:s5], $0x2000  }
0x70: {  	[sflag:s5] =	ssyncset.done $0x0  }
0x71: {  	[sflag:s5] =	ssyncadd.s32 $0xFFFFE000  }
0x72: {  	_ =	swait.ge [sflag:s5], $0x2000  }
0x73: {  	[sflag:s5] =	ssyncset.done $0x0  }
0x74: {  	[sflag:s5] =	ssyncadd.s32 $0xFFFFE000  }
0x75: {  	[tilespmem:s9], [sflag:$0x1] =	stream.indirect.gather [hbm4b:s3+s13], $0x80, s19, s13, $0xb8;
	[tilespmem:$0x10400] =	vst v63  }
0x76: {  	_ = 	snop  }
0x77: {  	[tilespmem:s10], [sflag:$0x1] =	stream.indirect.gather [hbm4b:s4+s13], $0x80, s20, s13, $0xb8;
	[tilespmem:$0x10400] =	vst v63  }
0x78: {  	_ =	swait.ge [sflag:s6], $0x2000  }
0x79: {  	[sflag:s6] =	ssyncset.done $0x0  }
0x7a: {  	[sflag:s6] =	ssyncadd.s32 $0xFFFFE000  }
0x7b: {  	_ =	swait.ge [sflag:s6], $0x2000  }
0x7c: {  	[sflag:s6] =	ssyncset.done $0x0  }
0x7d: {  	s0 =	rddreg [dreg:$0x11];
	[sflag:s6] =	ssyncadd.s32 $0xFFFFE000  }
0x7e: {  	[hbm4b:s0+s2] =	stream.linear.scatter [tilespmem:s14], [sflag:$0x2], $0x2000, $0x38;
	[tilespmem:$0x10400] =	vst v63  }
0x7f: {  	s1 =	rddreg [dreg:$0x12]  }
0x80: {  	[hbm4b:s1+s2] =	stream.linear.scatter [tilespmem:s15], [sflag:$0x2], $0x2000, $0x38;
	[tilespmem:$0x10400] =	vst v63  }
0x81: {  	_ =	swait.ge [sflag:s5], $0x2000  }
0x82: {  	[sflag:s5] =	ssyncset.done $0x0  }
0x83: {  	[sflag:s5] =	ssyncadd.s32 $0xFFFFE000  }
0x84: {  	_ =	swait.ge [sflag:s5], $0x2000  }
0x85: {  	[sflag:s5] =	ssyncset.done $0x0  }
0x86: {  	[sflag:s5] =	ssyncadd.s32 $0xFFFFE000  }
0x87: {  	[tilespmem:s7], [sflag:$0x1] =	stream.indirect.gather [hbm4b:s3+s13], $0x80, s17, s13, $0xb8;
	[tilespmem:$0x10400] =	vst v63  }
0x88: {  	_ = 	snop  }
0x89: {  	[tilespmem:s8], [sflag:$0x1] =	stream.indirect.gather [hbm4b:s4+s13], $0x80, s18, s13, $0xb8;
	[tilespmem:$0x10400] =	vst v63  }
0x8a: {  	_ =	swait.ge [sflag:s6], $0x2000  }
0x8b: {  	[sflag:s6] =	ssyncset.done $0x0  }
0x8c: {  	[sflag:s6] =	ssyncadd.s32 $0xFFFFE000  }
0x8d: {  	_ =	swait.ge [sflag:s6], $0x2000  }
0x8e: {  	[sflag:s6] =	ssyncset.done $0x0  }
0x8f: {  	s0 =	rddreg [dreg:$0x13];
	[sflag:s6] =	ssyncadd.s32 $0xFFFFE000  }
0x90: {  	[hbm4b:s0+s2] =	stream.linear.scatter [tilespmem:s11], [sflag:$0x2], $0x2000, $0x38;
	[tilespmem:$0x10400] =	vst v63  }
0x91: {  	s1 =	rddreg [dreg:$0x14]  }
0x92: {  	[hbm4b:s1+s2] =	stream.linear.scatter [tilespmem:s12], [sflag:$0x2], $0x2000, $0x38;
	[tilespmem:$0x10400] =	vst v63  }
0x93: {  	_ =	swait.ge [sflag:s6], $0x2000  }
0x94: {  	[sflag:s6] =	ssyncset.done $0x0  }
0x95: {  	[sflag:s6] =	ssyncadd.s32 $0xFFFFE000  }
0x96: {  	_ =	swait.ge [sflag:s6], $0x2000  }
0x97: {  	[sflag:s6] =	ssyncset.done $0x0  }
0x98: {  	s0 =	rddreg [dreg:$0x15];
	[sflag:s6] =	ssyncadd.s32 $0xFFFFE000  }
0x99: {  	[hbm4b:s0+s2] =	stream.linear.scatter [tilespmem:s9], [sflag:$0x2], $0x2000, $0x38;
	[tilespmem:$0x10400] =	vst v63  }
0x9a: {  	s1 =	rddreg [dreg:$0x16]  }
0x9b: {  	[hbm4b:s1+s2] =	stream.linear.scatter [tilespmem:s10], [sflag:$0x2], $0x2000, $0x38;
	[tilespmem:$0x10400] =	vst v63  }
0x9c: {  	_ =	swait.ge [sflag:s6], $0x2000  }
0x9d: {  	[sflag:s6] =	ssyncset.done $0x0  }
0x9e: {  	[sflag:s6] =	ssyncadd.s32 $0xFFFFE000  }
0x9f: {  	_ =	swait.ge [sflag:s6], $0x2000  }
0xa0: {  	[sflag:s6] =	ssyncset.done $0x0  }
0xa1: {  	s0 =	rddreg [dreg:$0x17];
	[sflag:s6] =	ssyncadd.s32 $0xFFFFE000  }
0xa2: {  	[hbm4b:s0+s2] =	stream.linear.scatter [tilespmem:s7], [sflag:$0x2], $0x2000, $0x38;
	[tilespmem:$0x10400] =	vst v63  }
0xa3: {  	s1 =	rddreg [dreg:$0x18]  }
0xa4: {  	[hbm4b:s1+s2] =	stream.linear.scatter [tilespmem:s8], [sflag:$0x2], $0x2000, $0x38;
	[tilespmem:$0x10400] =	vst v63  }
0xa5: {  	_ =	swait.ge [sflag:s5], $0x2000  }
0xa6: {  	[sflag:s5] =	ssyncset.done $0x0  }
0xa7: {  	[sflag:s5] =	ssyncadd.s32 $0xFFFFE000  }
0xa8: {  	_ =	swait.ge [sflag:s5], $0x2000  }
0xa9: {  	[sflag:s5] =	ssyncset.done $0x0  }
0xaa: {  	[sflag:s5] =	ssyncadd.s32 $0xFFFFE000  }
0xab: {  	_ =	swait.ge [sflag:s5], $0x2000  }
0xac: {  	[sflag:s5] =	ssyncset.done $0x0  }
0xad: {  	[sflag:s5] =	ssyncadd.s32 $0xFFFFE000  }
0xae: {  	_ =	swait.ge [sflag:s5], $0x2000  }
0xaf: {  	[sflag:s5] =	ssyncset.done $0x0  }
0xb0: {  	[sflag:s5] =	ssyncadd.s32 $0xFFFFE000  }
0xb1: {  	_ =	swait.ge [sflag:s5], $0x2000  }
0xb2: {  	[sflag:s5] =	ssyncset.done $0x0  }
0xb3: {  	[sflag:s5] =	ssyncadd.s32 $0xFFFFE000  }
0xb4: {  	_ =	swait.ge [sflag:s5], $0x2000  }
0xb5: {  	s16 =	smov.u32 s25;
	[sflag:s5] =	ssyncset.done $0x0  }
0xb6: {  	p1 =	sne.s32 s16, $0x1;
	[sflag:s5] =	ssyncadd.s32 $0xFFFFE000  }
.Ltmp1:
0xb7: {  	_ =	swait.ge [sflag:s5], $0x2000;
	(pc) =	sbr.rel @!p1 .LBB2_3-.Ltmp1, $4  }
0xb8: {  	[sflag:s5] =	ssyncset.done $0x0  }
0xb9: {  	p0 =	por $0x1, $0x1;
	s25 =	simm.s32 $0x280;
	[sflag:s5] =	ssyncadd.s32 $0xFFFFE000  }
0xba: {  	s30 =	simm.s32 $0x240;
	s31 =	simm.s32 $0x80;
	_ =	swait.ge [sflag:s5], $0x2000  }
0xbb: {  	s1 =	sadd.s32 $0xFFFFFFFF, s16;
	s0 =	rddreg [dreg:$0x7];
	[sflag:s5] =	ssyncset.done $0x0  }
.LBB2_4:
0xbc: {  	[sflag:s5] =	ssyncadd.s32 $0xFFFFE000  }
0xbd: {  	[tilespmem:s2], [sflag:$0x3] =	stream.linear.gather [hbm4b:s0+s2], $0x200, $0x38;
	[tilespmem:$0x10400] =	vst v63  }
0xbe: {  	_ =	swait.ge [sflag:s28], $0x200  }
0xbf: {  	[sflag:s28] =	ssyncset.done $0x0  }
0xc0: {  	s16 =	rddreg [dreg:$0x8];
	[sflag:s28] =	ssyncadd.s32 $0xFFFFFE00  }
0xc1: {  	[tilespmem:s26], [sflag:$0x3] =	stream.linear.gather [hbm4b:s16+s2], $0x200, $0x38;
	[tilespmem:$0x10400] =	vst v63  }
0xc2: {  	_ =	swait.ge [sflag:s28], $0x200  }
0xc3: {  	[sflag:s28] =	ssyncset.done $0x0  }
0xc4: {  	[sflag:s28] =	ssyncadd.s32 $0xFFFFFE00  }
0xc5: {  	[tilespmem:s14], [sflag:$0x1] =	stream.indirect.gather [hbm4b:s3+s13], $0x80, s2, s13, $0xb8;
	[tilespmem:$0x10400] =	vst v63  }
0xc6: {  	_ = 	snop  }
0xc7: {  	[tilespmem:s15], [sflag:$0x1] =	stream.indirect.gather [hbm4b:s4+s13], $0x80, s26, s13, $0xb8;
	[tilespmem:$0x10400] =	vst v63  }
0xc8: {  	_ = 	snop  }
0xc9: {  	[tilespmem:s11], [sflag:$0x1] =	stream.indirect.gather [hbm4b:s3+s13], $0x80, s13, s13, $0xb8;
	[tilespmem:$0x10400] =	vst v63  }
0xca: {  	_ = 	snop  }
0xcb: {  	[tilespmem:s12], [sflag:$0x1] =	stream.indirect.gather [hbm4b:s4+s13], $0x80, s30, s13, $0xb8;
	[tilespmem:$0x10400] =	vst v63  }
0xcc: {  	_ = 	snop  }
0xcd: {  	[tilespmem:s9], [sflag:$0x1] =	stream.indirect.gather [hbm4b:s3+s13], $0x80, s31, s13, $0xb8;
	[tilespmem:$0x10400] =	vst v63  }
0xce: {  	_ = 	snop  }
0xcf: {  	[tilespmem:s10], [sflag:$0x1] =	stream.indirect.gather [hbm4b:s4+s13], $0x80, s25, s13, $0xb8;
	[tilespmem:$0x10400] =	vst v63  }
0xd0: {  	_ =	swait.ge [sflag:s6], $0x2000  }
0xd1: {  	[sflag:s6] =	ssyncset.done $0x0  }
0xd2: {  	[sflag:s6] =	ssyncadd.s32 $0xFFFFE000  }
0xd3: {  	_ =	swait.ge [sflag:s6], $0x2000  }
0xd4: {  	[sflag:s6] =	ssyncset.done $0x0  }
0xd5: {  	s0 =	rddreg [dreg:$0x9];
	[sflag:s6] =	ssyncadd.s32 $0xFFFFE000  }
0xd6: {  	[hbm4b:s0+s2] =	stream.linear.scatter [tilespmem:s14], [sflag:$0x2], $0x2000, $0x38;
	[tilespmem:$0x10400] =	vst v63  }
0xd7: {  	s16 =	rddreg [dreg:$0xa]  }
0xd8: {  	[hbm4b:s16+s2] =	stream.linear.scatter [tilespmem:s15], [sflag:$0x2], $0x2000, $0x38;
	[tilespmem:$0x10400] =	vst v63  }
0xd9: {  	s16 =	simm.s32 $0xC0  }
0xda: {  	[tilespmem:s7], [sflag:$0x1] =	stream.indirect.gather [hbm4b:s3+s13], $0x80, s16, s13, $0xb8;
	[tilespmem:$0x10400] =	vst v63  }
0xdb: {  	_ = 	snop  }
0xdc: {  	[tilespmem:s8], [sflag:$0x1] =	stream.indirect.gather [hbm4b:s4+s13], $0x80, s29, s13, $0xb8;
	[tilespmem:$0x10400] =	vst v63  }
0xdd: {  	_ =	swait.ge [sflag:s6], $0x2000  }
0xde: {  	[sflag:s6] =	ssyncset.done $0x0  }
0xdf: {  	[sflag:s6] =	ssyncadd.s32 $0xFFFFE000  }
0xe0: {  	_ =	swait.ge [sflag:s6], $0x2000  }
0xe1: {  	[sflag:s6] =	ssyncset.done $0x0  }
0xe2: {  	s0 =	rddreg [dreg:$0xb];
	[sflag:s6] =	ssyncadd.s32 $0xFFFFE000  }
0xe3: {  	[hbm4b:s0+s2] =	stream.linear.scatter [tilespmem:s11], [sflag:$0x2], $0x2000, $0x38;
	[tilespmem:$0x10400] =	vst v63  }
0xe4: {  	s16 =	rddreg [dreg:$0xc]  }
0xe5: {  	[hbm4b:s16+s2] =	stream.linear.scatter [tilespmem:s12], [sflag:$0x2], $0x2000, $0x38;
	[tilespmem:$0x10400] =	vst v63  }
0xe6: {  	_ =	swait.ge [sflag:s5], $0x2000  }
0xe7: {  	[sflag:s5] =	ssyncset.done $0x0  }
0xe8: {  	[sflag:s5] =	ssyncadd.s32 $0xFFFFE000  }
0xe9: {  	_ =	swait.ge [sflag:s5], $0x2000  }
0xea: {  	[sflag:s5] =	ssyncset.done $0x0  }
0xeb: {  	[sflag:s5] =	ssyncadd.s32 $0xFFFFE000  }
0xec: {  	[tilespmem:s14], [sflag:$0x1] =	stream.indirect.gather [hbm4b:s3+s13], $0x80, s23, s13, $0xb8;
	[tilespmem:$0x10400] =	vst v63  }
0xed: {  	_ = 	snop  }
0xee: {  	[tilespmem:s15], [sflag:$0x1] =	stream.indirect.gather [hbm4b:s4+s13], $0x80, s24, s13, $0xb8;
	[tilespmem:$0x10400] =	vst v63  }
0xef: {  	_ =	swait.ge [sflag:s6], $0x2000  }
0xf0: {  	[sflag:s6] =	ssyncset.done $0x0  }
0xf1: {  	[sflag:s6] =	ssyncadd.s32 $0xFFFFE000  }
0xf2: {  	_ =	swait.ge [sflag:s6], $0x2000  }
0xf3: {  	[sflag:s6] =	ssyncset.done $0x0  }
0xf4: {  	s0 =	rddreg [dreg:$0xd];
	[sflag:s6] =	ssyncadd.s32 $0xFFFFE000  }
0xf5: {  	[hbm4b:s0+s2] =	stream.linear.scatter [tilespmem:s9], [sflag:$0x2], $0x2000, $0x38;
	[tilespmem:$0x10400] =	vst v63  }
0xf6: {  	s16 =	rddreg [dreg:$0xe]  }
0xf7: {  	[hbm4b:s16+s2] =	stream.linear.scatter [tilespmem:s10], [sflag:$0x2], $0x2000, $0x38;
	[tilespmem:$0x10400] =	vst v63  }
0xf8: {  	_ =	swait.ge [sflag:s5], $0x2000  }
0xf9: {  	[sflag:s5] =	ssyncset.done $0x0  }
0xfa: {  	[sflag:s5] =	ssyncadd.s32 $0xFFFFE000  }
0xfb: {  	_ =	swait.ge [sflag:s5], $0x2000  }
0xfc: {  	[sflag:s5] =	ssyncset.done $0x0  }
0xfd: {  	[sflag:s5] =	ssyncadd.s32 $0xFFFFE000  }
0xfe: {  	[tilespmem:s11], [sflag:$0x1] =	stream.indirect.gather [hbm4b:s3+s13], $0x80, s21, s13, $0xb8;
	[tilespmem:$0x10400] =	vst v63  }
0xff: {  	_ = 	snop  }
0x100: {  	[tilespmem:s12], [sflag:$0x1] =	stream.indirect.gather [hbm4b:s4+s13], $0x80, s22, s13, $0xb8;
	[tilespmem:$0x10400] =	vst v63  }
0x101: {  	_ =	swait.ge [sflag:s6], $0x2000  }
0x102: {  	[sflag:s6] =	ssyncset.done $0x0  }
0x103: {  	[sflag:s6] =	ssyncadd.s32 $0xFFFFE000  }
0x104: {  	_ =	swait.ge [sflag:s6], $0x2000  }
0x105: {  	[sflag:s6] =	ssyncset.done $0x0  }
0x106: {  	s0 =	rddreg [dreg:$0xf];
	[sflag:s6] =	ssyncadd.s32 $0xFFFFE000  }
0x107: {  	[hbm4b:s0+s2] =	stream.linear.scatter [tilespmem:s7], [sflag:$0x2], $0x2000, $0x38;
	[tilespmem:$0x10400] =	vst v63  }
0x108: {  	s16 =	rddreg [dreg:$0x10]  }
0x109: {  	[hbm4b:s16+s2] =	stream.linear.scatter [tilespmem:s8], [sflag:$0x2], $0x2000, $0x38;
	[tilespmem:$0x10400] =	vst v63  }
0x10a: {  	_ =	swait.ge [sflag:s5], $0x2000  }
0x10b: {  	[sflag:s5] =	ssyncset.done $0x0  }
0x10c: {  	[sflag:s5] =	ssyncadd.s32 $0xFFFFE000  }
0x10d: {  	_ =	swait.ge [sflag:s5], $0x2000  }
0x10e: {  	[sflag:s5] =	ssyncset.done $0x0  }
0x10f: {  	[sflag:s5] =	ssyncadd.s32 $0xFFFFE000  }
0x110: {  	[tilespmem:s9], [sflag:$0x1] =	stream.indirect.gather [hbm4b:s3+s13], $0x80, s19, s13, $0xb8;
	[tilespmem:$0x10400] =	vst v63  }
0x111: {  	_ = 	snop  }
0x112: {  	[tilespmem:s10], [sflag:$0x1] =	stream.indirect.gather [hbm4b:s4+s13], $0x80, s20, s13, $0xb8;
	[tilespmem:$0x10400] =	vst v63  }
0x113: {  	_ =	swait.ge [sflag:s6], $0x2000  }
0x114: {  	[sflag:s6] =	ssyncset.done $0x0  }
0x115: {  	[sflag:s6] =	ssyncadd.s32 $0xFFFFE000  }
0x116: {  	_ =	swait.ge [sflag:s6], $0x2000  }
0x117: {  	[sflag:s6] =	ssyncset.done $0x0  }
0x118: {  	s0 =	rddreg [dreg:$0x11];
	[sflag:s6] =	ssyncadd.s32 $0xFFFFE000  }
0x119: {  	[hbm4b:s0+s2] =	stream.linear.scatter [tilespmem:s14], [sflag:$0x2], $0x2000, $0x38;
	[tilespmem:$0x10400] =	vst v63  }
0x11a: {  	s16 =	rddreg [dreg:$0x12]  }
0x11b: {  	[hbm4b:s16+s2] =	stream.linear.scatter [tilespmem:s15], [sflag:$0x2], $0x2000, $0x38;
	[tilespmem:$0x10400] =	vst v63  }
0x11c: {  	_ =	swait.ge [sflag:s5], $0x2000  }
0x11d: {  	[sflag:s5] =	ssyncset.done $0x0  }
0x11e: {  	[sflag:s5] =	ssyncadd.s32 $0xFFFFE000  }
0x11f: {  	_ =	swait.ge [sflag:s5], $0x2000  }
0x120: {  	[sflag:s5] =	ssyncset.done $0x0  }
0x121: {  	[sflag:s5] =	ssyncadd.s32 $0xFFFFE000  }
0x122: {  	[tilespmem:s7], [sflag:$0x1] =	stream.indirect.gather [hbm4b:s3+s13], $0x80, s17, s13, $0xb8;
	[tilespmem:$0x10400] =	vst v63  }
0x123: {  	_ = 	snop  }
0x124: {  	[tilespmem:s8], [sflag:$0x1] =	stream.indirect.gather [hbm4b:s4+s13], $0x80, s18, s13, $0xb8;
	[tilespmem:$0x10400] =	vst v63  }
0x125: {  	_ =	swait.ge [sflag:s6], $0x2000  }
0x126: {  	[sflag:s6] =	ssyncset.done $0x0  }
0x127: {  	[sflag:s6] =	ssyncadd.s32 $0xFFFFE000  }
0x128: {  	_ =	swait.ge [sflag:s6], $0x2000  }
0x129: {  	[sflag:s6] =	ssyncset.done $0x0  }
0x12a: {  	s0 =	rddreg [dreg:$0x13];
	[sflag:s6] =	ssyncadd.s32 $0xFFFFE000  }
0x12b: {  	[hbm4b:s0+s2] =	stream.linear.scatter [tilespmem:s11], [sflag:$0x2], $0x2000, $0x38;
	[tilespmem:$0x10400] =	vst v63  }
0x12c: {  	s16 =	rddreg [dreg:$0x14]  }
0x12d: {  	[hbm4b:s16+s2] =	stream.linear.scatter [tilespmem:s12], [sflag:$0x2], $0x2000, $0x38;
	[tilespmem:$0x10400] =	vst v63  }
0x12e: {  	_ =	swait.ge [sflag:s6], $0x2000  }
0x12f: {  	[sflag:s6] =	ssyncset.done $0x0  }
0x130: {  	[sflag:s6] =	ssyncadd.s32 $0xFFFFE000  }
0x131: {  	_ =	swait.ge [sflag:s6], $0x2000  }
0x132: {  	[sflag:s6] =	ssyncset.done $0x0  }
0x133: {  	s0 =	rddreg [dreg:$0x15];
	[sflag:s6] =	ssyncadd.s32 $0xFFFFE000  }
0x134: {  	[hbm4b:s0+s2] =	stream.linear.scatter [tilespmem:s9], [sflag:$0x2], $0x2000, $0x38;
	[tilespmem:$0x10400] =	vst v63  }
0x135: {  	s16 =	rddreg [dreg:$0x16]  }
0x136: {  	[hbm4b:s16+s2] =	stream.linear.scatter [tilespmem:s10], [sflag:$0x2], $0x2000, $0x38;
	[tilespmem:$0x10400] =	vst v63  }
0x137: {  	_ =	swait.ge [sflag:s6], $0x2000  }
0x138: {  	[sflag:s6] =	ssyncset.done $0x0  }
0x139: {  	[sflag:s6] =	ssyncadd.s32 $0xFFFFE000  }
0x13a: {  	_ =	swait.ge [sflag:s6], $0x2000  }
0x13b: {  	[sflag:s6] =	ssyncset.done $0x0  }
0x13c: {  	s0 =	rddreg [dreg:$0x17];
	[sflag:s6] =	ssyncadd.s32 $0xFFFFE000  }
0x13d: {  	[hbm4b:s0+s2] =	stream.linear.scatter [tilespmem:s7], [sflag:$0x2], $0x2000, $0x38;
	[tilespmem:$0x10400] =	vst v63  }
0x13e: {  	s16 =	rddreg [dreg:$0x18]  }
0x13f: {  	[hbm4b:s16+s2] =	stream.linear.scatter [tilespmem:s8], [sflag:$0x2], $0x2000, $0x38;
	[tilespmem:$0x10400] =	vst v63  }
0x140: {  	_ =	swait.ge [sflag:s5], $0x2000  }
0x141: {  	[sflag:s5] =	ssyncset.done $0x0  }
0x142: {  	[sflag:s5] =	ssyncadd.s32 $0xFFFFE000  }
0x143: {  	_ =	swait.ge [sflag:s5], $0x2000  }
0x144: {  	[sflag:s5] =	ssyncset.done $0x0  }
0x145: {  	[sflag:s5] =	ssyncadd.s32 $0xFFFFE000  }
0x146: {  	_ =	swait.ge [sflag:s5], $0x2000  }
0x147: {  	[sflag:s5] =	ssyncset.done $0x0  }
0x148: {  	[sflag:s5] =	ssyncadd.s32 $0xFFFFE000  }
0x149: {  	_ =	swait.ge [sflag:s5], $0x2000  }
0x14a: {  	[sflag:s5] =	ssyncset.done $0x0  }
0x14b: {  	[sflag:s5] =	ssyncadd.s32 $0xFFFFE000  }
0x14c: {  	_ =	swait.ge [sflag:s5], $0x2000  }
0x14d: {  	[sflag:s5] =	ssyncset.done $0x0  }
0x14e: {  	[sflag:s5] =	ssyncadd.s32 $0xFFFFE000  }
0x14f: {  	_ =	swait.ge [sflag:s5], $0x2000  }
0x150: {  	[sflag:s5] =	ssyncset.done $0x0  }
0x151: {  	p1 =	sne.s32 s1, $0x1;
	[sflag:s5] =	ssyncadd.s32 $0xFFFFE000  }
.Ltmp2:
0x152: {  	_ =	swait.ge [sflag:s5], $0x2000;
	(pc) =	sbr.rel @p1 .LBB2_4-.Ltmp2, $4  }
0x153: {  	[sflag:s5] =	ssyncset.done $0x0  }
0x154: {  	[sflag:s5] =	ssyncadd.s32 $0xFFFFE000  }
0x155: {  	_ =	swait.ge [sflag:s5], $0x2000  }
0x156: {  	s1 =	sadd.s32 $0xFFFFFFFF, s1;
	s0 =	rddreg [dreg:$0x7];
	[sflag:s5] =	ssyncset.done $0x0  }
0x157: {  	s29 =	simm.s32 $0x2C0;
	s25 =	simm.s32 $0xC0  }
0x158: {  	s24 =	simm.s32 $0x300;
	s23 =	simm.s32 $0x100;
	s22 =	simm.s32 $0x340  }
0x159: {  	s21 =	simm.s32 $0x140;
	s20 =	simm.s32 $0x380;
	s19 =	simm.s32 $0x180  }
0x15a: {  	s18 =	simm.s32 $0x3C0;
	s17 =	simm.s32 $0x1C0;
	s16 =	stileid.u32  }
0x15b: {  	s1 =	simm.s32 $0x240;
	s30 =	simm.s32 $0x80;
	s31 =	simm.s32 $0x280  }
.LBB2_6:
0x15c: {  	[sflag:s5] =	ssyncadd.s32 @p0 $0xFFFFE000  }
0x15d: {  	[tilespmem:s2], [sflag:$0x3] =	stream.linear.gather [hbm4b:s0+s2], $0x200, $0x38;
	[tilespmem:$0x10400] =	vst v63  }
0x15e: {  	_ =	swait.ge [sflag:s28], $0x200  }
0x15f: {  	[sflag:s28] =	ssyncset.done $0x0  }
0x160: {  	s0 =	rddreg [dreg:$0x8];
	[sflag:s28] =	ssyncadd.s32 $0xFFFFFE00  }
0x161: {  	[tilespmem:s26], [sflag:$0x3] =	stream.linear.gather [hbm4b:s0+s2], $0x200, $0x38;
	[tilespmem:$0x10400] =	vst v63  }
0x162: {  	_ =	swait.ge [sflag:s28], $0x200  }
0x163: {  	[sflag:s28] =	ssyncset.done $0x0  }
0x164: {  	[sflag:s28] =	ssyncadd.s32 $0xFFFFFE00  }
0x165: {  	[tilespmem:s14], [sflag:$0x1] =	stream.indirect.gather [hbm4b:s3+s13], $0x80, s2, s13, $0xb8;
	[tilespmem:$0x10400] =	vst v63  }
0x166: {  	_ = 	snop  }
0x167: {  	[tilespmem:s15], [sflag:$0x1] =	stream.indirect.gather [hbm4b:s4+s13], $0x80, s26, s13, $0xb8;
	[tilespmem:$0x10400] =	vst v63  }
0x168: {  	_ = 	snop  }
0x169: {  	[tilespmem:s11], [sflag:$0x1] =	stream.indirect.gather [hbm4b:s3+s13], $0x80, s13, s13, $0xb8;
	[tilespmem:$0x10400] =	vst v63  }
0x16a: {  	_ = 	snop  }
0x16b: {  	[tilespmem:s12], [sflag:$0x1] =	stream.indirect.gather [hbm4b:s4+s13], $0x80, s1, s13, $0xb8;
	[tilespmem:$0x10400] =	vst v63  }
0x16c: {  	_ = 	snop  }
0x16d: {  	[tilespmem:s9], [sflag:$0x1] =	stream.indirect.gather [hbm4b:s3+s13], $0x80, s30, s13, $0xb8;
	[tilespmem:$0x10400] =	vst v63  }
0x16e: {  	_ = 	snop  }
0x16f: {  	[tilespmem:s10], [sflag:$0x1] =	stream.indirect.gather [hbm4b:s4+s13], $0x80, s31, s13, $0xb8;
	[tilespmem:$0x10400] =	vst v63  }
0x170: {  	_ =	swait.ge [sflag:s6], $0x2000  }
0x171: {  	[sflag:s6] =	ssyncset.done $0x0  }
0x172: {  	[sflag:s6] =	ssyncadd.s32 $0xFFFFE000  }
0x173: {  	_ =	swait.ge [sflag:s6], $0x2000  }
0x174: {  	[sflag:s6] =	ssyncset.done $0x0  }
0x175: {  	s1 =	rddreg [dreg:$0x9];
	[sflag:s6] =	ssyncadd.s32 $0xFFFFE000  }
0x176: {  	[hbm4b:s1+s2] =	stream.linear.scatter [tilespmem:s14], [sflag:$0x2], $0x2000, $0x38;
	[tilespmem:$0x10400] =	vst v63  }
0x177: {  	s26 =	rddreg [dreg:$0xa]  }
0x178: {  	[hbm4b:s26+s2] =	stream.linear.scatter [tilespmem:s15], [sflag:$0x2], $0x2000, $0x38;
	[tilespmem:$0x10400] =	vst v63  }
0x179: {  	_ = 	snop  }
0x17a: {  	[tilespmem:s7], [sflag:$0x1] =	stream.indirect.gather [hbm4b:s3+s13], $0x80, s25, s13, $0xb8;
	[tilespmem:$0x10400] =	vst v63  }
0x17b: {  	_ = 	snop  }
0x17c: {  	[tilespmem:s8], [sflag:$0x1] =	stream.indirect.gather [hbm4b:s4+s13], $0x80, s29, s13, $0xb8;
	[tilespmem:$0x10400] =	vst v63  }
0x17d: {  	_ =	swait.ge [sflag:s6], $0x2000  }
0x17e: {  	[sflag:s6] =	ssyncset.done $0x0  }
0x17f: {  	[sflag:s6] =	ssyncadd.s32 $0xFFFFE000  }
0x180: {  	_ =	swait.ge [sflag:s6], $0x2000  }
0x181: {  	[sflag:s6] =	ssyncset.done $0x0  }
0x182: {  	s28 =	rddreg [dreg:$0xb];
	[sflag:s6] =	ssyncadd.s32 $0xFFFFE000  }
0x183: {  	[hbm4b:s28+s2] =	stream.linear.scatter [tilespmem:s11], [sflag:$0x2], $0x2000, $0x38;
	[tilespmem:$0x10400] =	vst v63  }
0x184: {  	s29 =	rddreg [dreg:$0xc]  }
0x185: {  	[hbm4b:s29+s2] =	stream.linear.scatter [tilespmem:s12], [sflag:$0x2], $0x2000, $0x38;
	[tilespmem:$0x10400] =	vst v63  }
0x186: {  	_ =	swait.ge [sflag:s5], $0x2000  }
0x187: {  	[sflag:s5] =	ssyncset.done $0x0  }
0x188: {  	[sflag:s5] =	ssyncadd.s32 $0xFFFFE000  }
0x189: {  	_ =	swait.ge [sflag:s5], $0x2000  }
0x18a: {  	[sflag:s5] =	ssyncset.done $0x0  }
0x18b: {  	[sflag:s5] =	ssyncadd.s32 $0xFFFFE000  }
0x18c: {  	[tilespmem:s14], [sflag:$0x1] =	stream.indirect.gather [hbm4b:s3+s13], $0x80, s23, s13, $0xb8;
	[tilespmem:$0x10400] =	vst v63  }
0x18d: {  	_ = 	snop  }
0x18e: {  	[tilespmem:s15], [sflag:$0x1] =	stream.indirect.gather [hbm4b:s4+s13], $0x80, s24, s13, $0xb8;
	[tilespmem:$0x10400] =	vst v63  }
0x18f: {  	_ =	swait.ge [sflag:s6], $0x2000  }
0x190: {  	[sflag:s6] =	ssyncset.done $0x0  }
0x191: {  	[sflag:s6] =	ssyncadd.s32 $0xFFFFE000  }
0x192: {  	_ =	swait.ge [sflag:s6], $0x2000  }
0x193: {  	[sflag:s6] =	ssyncset.done $0x0  }
0x194: {  	s30 =	rddreg [dreg:$0xd];
	[sflag:s6] =	ssyncadd.s32 $0xFFFFE000  }
0x195: {  	[hbm4b:s30+s2] =	stream.linear.scatter [tilespmem:s9], [sflag:$0x2], $0x2000, $0x38;
	[tilespmem:$0x10400] =	vst v63  }
0x196: {  	s31 =	rddreg [dreg:$0xe]  }
0x197: {  	[hbm4b:s31+s2] =	stream.linear.scatter [tilespmem:s10], [sflag:$0x2], $0x2000, $0x38;
	[tilespmem:$0x10400] =	vst v63  }
0x198: {  	_ =	swait.ge [sflag:s5], $0x2000  }
0x199: {  	[sflag:s5] =	ssyncset.done $0x0  }
0x19a: {  	[sflag:s5] =	ssyncadd.s32 $0xFFFFE000  }
0x19b: {  	_ =	swait.ge [sflag:s5], $0x2000  }
0x19c: {  	[sflag:s5] =	ssyncset.done $0x0  }
0x19d: {  	[sflag:s5] =	ssyncadd.s32 $0xFFFFE000  }
0x19e: {  	[tilespmem:s11], [sflag:$0x1] =	stream.indirect.gather [hbm4b:s3+s13], $0x80, s21, s13, $0xb8;
	[tilespmem:$0x10400] =	vst v63  }
0x19f: {  	_ = 	snop  }
0x1a0: {  	[tilespmem:s12], [sflag:$0x1] =	stream.indirect.gather [hbm4b:s4+s13], $0x80, s22, s13, $0xb8;
	[tilespmem:$0x10400] =	vst v63  }
0x1a1: {  	_ =	swait.ge [sflag:s6], $0x2000  }
0x1a2: {  	[sflag:s6] =	ssyncset.done $0x0  }
0x1a3: {  	[sflag:s6] =	ssyncadd.s32 $0xFFFFE000  }
0x1a4: {  	_ =	swait.ge [sflag:s6], $0x2000  }
0x1a5: {  	[sflag:s6] =	ssyncset.done $0x0  }
0x1a6: {  	s21 =	rddreg [dreg:$0xf];
	[sflag:s6] =	ssyncadd.s32 $0xFFFFE000  }
0x1a7: {  	[hbm4b:s21+s2] =	stream.linear.scatter [tilespmem:s7], [sflag:$0x2], $0x2000, $0x38;
	[tilespmem:$0x10400] =	vst v63  }
0x1a8: {  	s22 =	rddreg [dreg:$0x10]  }
0x1a9: {  	[hbm4b:s22+s2] =	stream.linear.scatter [tilespmem:s8], [sflag:$0x2], $0x2000, $0x38;
	[tilespmem:$0x10400] =	vst v63  }
0x1aa: {  	_ =	swait.ge [sflag:s5], $0x2000  }
0x1ab: {  	[sflag:s5] =	ssyncset.done $0x0  }
0x1ac: {  	[sflag:s5] =	ssyncadd.s32 $0xFFFFE000  }
0x1ad: {  	_ =	swait.ge [sflag:s5], $0x2000  }
0x1ae: {  	[sflag:s5] =	ssyncset.done $0x0  }
0x1af: {  	[sflag:s5] =	ssyncadd.s32 $0xFFFFE000  }
0x1b0: {  	[tilespmem:s9], [sflag:$0x1] =	stream.indirect.gather [hbm4b:s3+s13], $0x80, s19, s13, $0xb8;
	[tilespmem:$0x10400] =	vst v63  }
0x1b1: {  	_ = 	snop  }
0x1b2: {  	[tilespmem:s10], [sflag:$0x1] =	stream.indirect.gather [hbm4b:s4+s13], $0x80, s20, s13, $0xb8;
	[tilespmem:$0x10400] =	vst v63  }
0x1b3: {  	_ =	swait.ge [sflag:s6], $0x2000  }
0x1b4: {  	[sflag:s6] =	ssyncset.done $0x0  }
0x1b5: {  	[sflag:s6] =	ssyncadd.s32 $0xFFFFE000  }
0x1b6: {  	_ =	swait.ge [sflag:s6], $0x2000  }
0x1b7: {  	[sflag:s6] =	ssyncset.done $0x0  }
0x1b8: {  	s23 =	rddreg [dreg:$0x11];
	[sflag:s6] =	ssyncadd.s32 $0xFFFFE000  }
0x1b9: {  	[hbm4b:s23+s2] =	stream.linear.scatter [tilespmem:s14], [sflag:$0x2], $0x2000, $0x38;
	[tilespmem:$0x10400] =	vst v63  }
0x1ba: {  	s24 =	rddreg [dreg:$0x12]  }
0x1bb: {  	[hbm4b:s24+s2] =	stream.linear.scatter [tilespmem:s15], [sflag:$0x2], $0x2000, $0x38;
	[tilespmem:$0x10400] =	vst v63  }
0x1bc: {  	_ =	swait.ge [sflag:s5], $0x2000  }
0x1bd: {  	[sflag:s5] =	ssyncset.done $0x0  }
0x1be: {  	[sflag:s5] =	ssyncadd.s32 $0xFFFFE000  }
0x1bf: {  	_ =	swait.ge [sflag:s5], $0x2000  }
0x1c0: {  	[sflag:s5] =	ssyncset.done $0x0  }
0x1c1: {  	[sflag:s5] =	ssyncadd.s32 $0xFFFFE000  }
0x1c2: {  	[tilespmem:s7], [sflag:$0x1] =	stream.indirect.gather [hbm4b:s3+s13], $0x80, s17, s13, $0xb8;
	[tilespmem:$0x10400] =	vst v63  }
0x1c3: {  	_ = 	snop  }
0x1c4: {  	[tilespmem:s8], [sflag:$0x1] =	stream.indirect.gather [hbm4b:s4+s13], $0x80, s18, s13, $0xb8;
	[tilespmem:$0x10400] =	vst v63  }
0x1c5: {  	_ =	swait.ge [sflag:s6], $0x2000  }
0x1c6: {  	[sflag:s6] =	ssyncset.done $0x0  }
0x1c7: {  	[sflag:s6] =	ssyncadd.s32 $0xFFFFE000  }
0x1c8: {  	_ =	swait.ge [sflag:s6], $0x2000  }
0x1c9: {  	[sflag:s6] =	ssyncset.done $0x0  }
0x1ca: {  	s25 =	rddreg [dreg:$0x13];
	[sflag:s6] =	ssyncadd.s32 $0xFFFFE000  }
0x1cb: {  	[hbm4b:s25+s2] =	stream.linear.scatter [tilespmem:s11], [sflag:$0x2], $0x2000, $0x38;
	[tilespmem:$0x10400] =	vst v63  }
0x1cc: {  	s26 =	rddreg [dreg:$0x14]  }
0x1cd: {  	[hbm4b:s26+s2] =	stream.linear.scatter [tilespmem:s12], [sflag:$0x2], $0x2000, $0x38;
	[tilespmem:$0x10400] =	vst v63  }
0x1ce: {  	_ =	swait.ge [sflag:s6], $0x2000  }
0x1cf: {  	[sflag:s6] =	ssyncset.done $0x0  }
0x1d0: {  	[sflag:s6] =	ssyncadd.s32 $0xFFFFE000  }
0x1d1: {  	_ =	swait.ge [sflag:s6], $0x2000  }
0x1d2: {  	[sflag:s6] =	ssyncset.done $0x0  }
0x1d3: {  	s28 =	rddreg [dreg:$0x15];
	[sflag:s6] =	ssyncadd.s32 $0xFFFFE000  }
0x1d4: {  	[hbm4b:s28+s2] =	stream.linear.scatter [tilespmem:s9], [sflag:$0x2], $0x2000, $0x38;
	[tilespmem:$0x10400] =	vst v63  }
0x1d5: {  	s29 =	rddreg [dreg:$0x16]  }
0x1d6: {  	[hbm4b:s29+s2] =	stream.linear.scatter [tilespmem:s10], [sflag:$0x2], $0x2000, $0x38;
	[tilespmem:$0x10400] =	vst v63  }
0x1d7: {  	_ =	swait.ge [sflag:s6], $0x2000  }
0x1d8: {  	[sflag:s6] =	ssyncset.done $0x0  }
0x1d9: {  	[sflag:s6] =	ssyncadd.s32 $0xFFFFE000  }
0x1da: {  	_ =	swait.ge [sflag:s6], $0x2000  }
0x1db: {  	[sflag:s6] =	ssyncset.done $0x0  }
0x1dc: {  	s30 =	rddreg [dreg:$0x17];
	[sflag:s6] =	ssyncadd.s32 $0xFFFFE000  }
0x1dd: {  	[hbm4b:s30+s2] =	stream.linear.scatter [tilespmem:s7], [sflag:$0x2], $0x2000, $0x38;
	[tilespmem:$0x10400] =	vst v63  }
0x1de: {  	s31 =	rddreg [dreg:$0x18]  }
0x1df: {  	[hbm4b:s31+s2] =	stream.linear.scatter [tilespmem:s8], [sflag:$0x2], $0x2000, $0x38;
	[tilespmem:$0x10400] =	vst v63  }
0x1e0: {  	_ =	swait.ge [sflag:s5], $0x2000  }
0x1e1: {  	[sflag:s5] =	ssyncset.done $0x0  }
0x1e2: {  	[sflag:s5] =	ssyncadd.s32 $0xFFFFE000  }
0x1e3: {  	_ =	swait.ge [sflag:s5], $0x2000  }
0x1e4: {  	[sflag:s5] =	ssyncset.done $0x0  }
0x1e5: {  	[sflag:s5] =	ssyncadd.s32 $0xFFFFE000  }
0x1e6: {  	_ =	swait.ge [sflag:s5], $0x2000  }
0x1e7: {  	[sflag:s5] =	ssyncset.done $0x0  }
0x1e8: {  	[sflag:s5] =	ssyncadd.s32 $0xFFFFE000  }
0x1e9: {  	_ =	swait.ge [sflag:s5], $0x2000  }
0x1ea: {  	[sflag:s5] =	ssyncset.done $0x0  }
0x1eb: {  	[sflag:s5] =	ssyncadd.s32 $0xFFFFE000  }
0x1ec: {  	_ =	swait.ge [sflag:s5], $0x2000  }
0x1ed: {  	[sflag:s5] =	ssyncset.done $0x0  }
0x1ee: {  	[sflag:s5] =	ssyncadd.s32 $0xFFFFE000  }
0x1ef: {  	_ =	swait.ge [sflag:s5], $0x2000  }
0x1f0: {  	[sflag:s5] =	ssyncset.done $0x0  }
0x1f1: {  	[sflag:s5] =	ssyncadd.s32 $0xFFFFE000  }
0x1f2: {  	_ =	swait.ge [sflag:s5], $0x2000  }
0x1f3: {  	[sflag:s5] =	ssyncset.done $0x0  }
0x1f4: {  	[sflag:s5] =	ssyncadd.s32 $0xFFFFE000  }
0x1f5: {  	_ =	swait.ge [sflag:s5], $0x2000  }
0x1f6: {  	[sflag:s5] =	ssyncset.done $0x0  }
0x1f7: {  	[sflag:s5] =	ssyncadd.s32 $0xFFFFE000  }
0x1f8: {  	_ =	sfence.sel $0x180000  }
0x1f9: {  	[bflag:$0x0] =	sbarrier.arrive $0xFFFF  }
0x1fa: {  	_ =	strace $0x90000047  }
0x1fb: {  	[bflag:$0x2] =	sbarrier.arrive $0xFFFF  }
0x1fc: {  	p0 =	sne.s32 s16, $0x0;
	s0 =	rddreg [dreg:$0x6]  }
0x1fd: {  	s0 =	sadd.s32 @!p0 $0x100000, s0  }
0x1fe: {  	[sflag:s0] =	ssyncadd.tile.s32 @!p0 $0x1;
	_ =	shalt  }
.LBB2_1:
.Ltmp3:
0x1ff: {  	(pc) =	sbr.rel .LBB2_6-.Ltmp3, $4  }
0x200: {  	s29 =	simm.s32 $0x2C0  }
0x201: {  	s25 =	simm.s32 $0xC0;
	s24 =	simm.s32 $0x300;
	s23 =	simm.s32 $0x100  }
0x202: {  	s22 =	simm.s32 $0x340;
	s21 =	simm.s32 $0x140;
	s20 =	simm.s32 $0x380  }
0x203: {  	s19 =	simm.s32 $0x180;
	s18 =	simm.s32 $0x3C0;
	s17 =	simm.s32 $0x1C0  }
.LBB2_3:
.Ltmp4:
0x204: {  	s29 =	simm.s32 $0x2C0;
	s25 =	simm.s32 $0xC0;
	(pc) =	sbr.rel .LBB2_6-.Ltmp4, $4  }
0x205: {  	s24 =	simm.s32 $0x300;
	s23 =	simm.s32 $0x100;
	s22 =	simm.s32 $0x340  }
0x206: {  	s21 =	simm.s32 $0x140;
	s20 =	simm.s32 $0x380;
	s19 =	simm.s32 $0x180  }
0x207: {  	s18 =	simm.s32 $0x3C0;
	s17 =	simm.s32 $0x1C0;
	s16 =	stileid.u32  }
0x208: {  	s1 =	simm.s32 $0x240;
	s30 =	simm.s32 $0x80;
	s31 =	simm.s32 $0x280  }
.Lfunc_end2:
_tile_overlayer_lowered:
.L_overlay_start_2:
0x209: {  	(tag) =	ssettag $0x2  }
0x20a: {  	s0 =	rddreg [dreg:$0x0];
	s2 =	stileid.u32  }
0x20b: {  	s1 =	rddreg [dreg:$0x1];
	p0 =	sne.s32 s2, $0x0  }
0x20c: {  	s3 =	rddreg [dreg:$0x2];
	[bflag:$0x3] =	sbarrier.arrive $0xFFFF;
	s2 =	simm.s32 @!p0 $0x1C03  }
0x20d: {  	[timem:s3], [sflag:s2] =	dma.local @!p0 [hbm:s0], s1  }
0x20e: {  	s0 =	simm.s32 @!p0 $0x3  }
0x20f: {  	_ =	swait.ge @!p0 [sflag:s0], s1  }
0x210: {  	s1 =	ssub.s32 @!p0 $0x0, s1;
	[sflag:s0] =	ssyncset.done @!p0 $0x0  }
0x211: {  	[sflag:s0] =	ssyncadd.s32 @!p0 s1  }
0x212: {  	[bflag:$0x3] =	sbarrier.arrive $0xFFFF  }
0x213: {  	_ =	shalt  }

</sc_bundles>
